<compile_context>
chip_gen: v7x
topology: tpu7x:2x2x1
jax: 0.10.2.dev20260603
libtpu: 0.0.44.dev20260713+nightly
codegen_flags: <defaults>
</compile_context>

<pallas_src>
import functools

import jax
import jax.numpy as jnp
import numpy as np
from jax import lax
from jax.experimental import pallas as pl
from jax.experimental.pallas import tpu as pltpu
from jax.experimental.pallas import tpu_sc as plsc

_EPS = float(np.finfo(np.float64).eps)


def _gating_body(x_ref, wg_ref, i1_ref, i2_ref, g1_ref, g2_ref, cnt_ref,
                 acc_ref):
    i = pl.program_id(0)
    logits = lax.dot_general(x_ref[...], wg_ref[...], (((1,), (0,)), ((), ())),
                             preferred_element_type=jnp.float32)
    e = logits.shape[1]
    col = lax.broadcasted_iota(jnp.int32, logits.shape, 1)
    m1 = jnp.max(logits, axis=1, keepdims=True)
    i1 = jnp.min(jnp.where(logits == m1, col, e), axis=1, keepdims=True)
    masked = jnp.where(col == i1, -jnp.inf, logits)
    m2 = jnp.max(masked, axis=1, keepdims=True)
    i2 = jnp.min(jnp.where(masked == m2, col, e), axis=1, keepdims=True)
    t = jnp.exp(m2 - m1)
    denom = 1.0 + t
    i1_ref[...] = i1
    i2_ref[...] = i2
    g1_ref[...] = 1.0 / denom
    g2_ref[...] = t / denom
    hist = (jnp.sum((i1 == col[: i1.shape[0]]).astype(jnp.int32), axis=0,
                    keepdims=True)
            + jnp.sum((i2 == col[: i2.shape[0]]).astype(jnp.int32), axis=0,
                      keepdims=True))

    @pl.when(i == 0)
    def _():
        acc_ref[...] = jnp.zeros_like(acc_ref)

    acc_ref[0:1, :] += hist

    @pl.when(i == pl.num_programs(0) - 1)
    def _():
        cnt_ref[...] = acc_ref[0:1, :]


def _routing_body(i1_ref, i2_ref, poffs_ref, p0_ref, p1_ref, te_ref, acc_ref,
                  lt_ref, *, tm):
    i = pl.program_id(0)
    tr = i1_ref.shape[0]
    ee = jnp.concatenate([i1_ref[...], i2_ref[...]], axis=0)
    e = poffs_ref.shape[1] - 1
    col = lax.broadcasted_iota(jnp.int32, (2 * tr, e), 1)
    onehot_b = ee == col
    onehot_f = onehot_b.astype(jnp.float32)

    @pl.when(i == 0)
    def _():
        acc_ref[...] = jnp.zeros_like(acc_ref)
        r = lax.broadcasted_iota(jnp.int32, (2 * tr, 2 * tr), 0)
        c = lax.broadcasted_iota(jnp.int32, (2 * tr, 2 * tr), 1)
        lt_ref[...] = (c < r).astype(jnp.float32)
        tn_pad = te_ref.shape[0]
        ts = lax.broadcasted_iota(jnp.int32, (tn_pad, e), 0) * tm
        ge = (ts >= poffs_ref[0:1, 1:]).astype(jnp.int32)
        te_ref[...] = jnp.minimum(jnp.sum(ge, axis=1, keepdims=True), e - 1)

    excl = lax.dot_general(lt_ref[...], onehot_f, (((1,), (0,)), ((), ())),
                           preferred_element_type=jnp.float32)
    rank = jnp.sum(excl * onehot_f, axis=1, keepdims=True).astype(jnp.int32)
    base = jnp.sum(jnp.where(onehot_b, poffs_ref[0:1, :e], 0), axis=1,
                   keepdims=True)
    run = jnp.sum(jnp.where(onehot_b, acc_ref[0:1, :], 0), axis=1,
                  keepdims=True)
    slot = base + run + rank
    p0_ref[...] = slot[:tr]
    p1_ref[...] = slot[tr:]
    acc_ref[0:1, :] += jnp.sum(onehot_b.astype(jnp.int32), axis=0,
                               keepdims=True)


def _gmm_body(te_ref, na_ref, xs_ref, w1_ref, b1_ref, w2_ref, b2_ref, ys_ref):
    i = pl.program_id(0)

    @pl.when(i < na_ref[0])
    def _():
        h = lax.dot_general(xs_ref[...], w1_ref[0], (((1,), (0,)), ((), ())),
                            preferred_element_type=jnp.float32)
        h = jnp.maximum(h + b1_ref[0], 0.0)
        o = lax.dot_general(h, w2_ref[0], (((1,), (0,)), ((), ())),
                            preferred_element_type=jnp.float32)
        ys_ref[...] = jnp.exp(jnp.tanh(o + b2_ref[0]) * 10.0)


def _combine_body(y1_ref, y2_ref, g1_ref, g2_ref, o_ref):
    s = g1_ref[...] * y1_ref[...] + g2_ref[...] * y2_ref[...]
    o_ref[...] = jnp.log(jnp.where(s == 0.0, _EPS, s))


def _sc_scatter_rows(x, pos0, pos1, p):
    n, d = x.shape
    nw = 32
    ch = 128
    t_per_w = n // nw
    nch = t_per_w // ch
    mesh = plsc.VectorSubcoreMesh(core_axis_name="c", subcore_axis_name="s")

    @functools.partial(
        pl.kernel,
        mesh=mesh,
        out_type=jax.ShapeDtypeStruct((p, d), jnp.float32),
        scratch_types=[
            pltpu.VMEM((2, ch), jnp.int32),
            pltpu.VMEM((ch, d), jnp.float32),
            pltpu.SemaphoreType.DMA,
        ],
    )
    def scatter_k(x_hbm, p0_hbm, p1_hbm, xs_hbm, posb, rows, sem):
        wid = lax.axis_index("s") * 2 + lax.axis_index("c")
        for cc in range(nch):
            off = wid * t_per_w + cc * ch
            li0 = pltpu.async_copy(p0_hbm.at[pl.ds(off, ch)], posb.at[0], sem)
            li1 = pltpu.async_copy(p1_hbm.at[pl.ds(off, ch)], posb.at[1], sem)
            lr = pltpu.async_copy(x_hbm.at[pl.ds(off, ch)], rows, sem)
            li0.wait()
            li1.wait()
            lr.wait()
            cp0 = pltpu.async_copy(rows, xs_hbm.at[posb.at[0]], sem)
            cp1 = pltpu.async_copy(rows, xs_hbm.at[posb.at[1]], sem)
            cp0.wait()
            cp1.wait()

    return scatter_k(x, pos0, pos1)


def _sc_gather(table, idx):
    _, d = table.shape
    b = idx.shape[0]
    nw = 32
    ch = 128
    b_per_w = b // nw
    nch = b_per_w // ch
    mesh = plsc.VectorSubcoreMesh(core_axis_name="c", subcore_axis_name="s")

    @functools.partial(
        pl.kernel,
        mesh=mesh,
        out_type=jax.ShapeDtypeStruct((b, d), jnp.float32),
        scratch_types=[
            pltpu.VMEM((nch, ch), jnp.int32),
            pltpu.VMEM((ch, d), jnp.float32),
            pltpu.SemaphoreType.DMA,
        ],
    )
    def gather_k(table_hbm, idx_hbm, out_hbm, idxb, rows, sem):
        wid = lax.axis_index("s") * 2 + lax.axis_index("c")
        base = wid * b_per_w
        for j in range(nch):
            pltpu.sync_copy(idx_hbm.at[pl.ds(base + j * ch, ch)], idxb.at[j])
        for j in range(nch):
            pltpu.async_copy(table_hbm.at[idxb.at[j]], rows, sem).wait()
            pltpu.sync_copy(rows, out_hbm.at[pl.ds(base + j * ch, ch)])

    return gather_k(table, idx)


def kernel(x, w_gate, W1, b1, W2, b2):
    n, d = x.shape
    e = w_gate.shape[1]
    h = W1.shape[2]
    out_d = W2.shape[2]
    tm = 192
    p = 2 * n + (tm - 1) * min(e, 2 * n)
    p = ((p + tm - 1) // tm) * tm
    tn = p // tm

    tg = 1024
    i1, i2, g1, g2, counts = pl.pallas_call(
        _gating_body,
        grid=(n // tg,),
        in_specs=[
            pl.BlockSpec((tg, d), lambda i: (i, 0)),
            pl.BlockSpec((d, e), lambda i: (0, 0)),
        ],
        out_specs=[
            pl.BlockSpec((tg, 1), lambda i: (i, 0)),
            pl.BlockSpec((tg, 1), lambda i: (i, 0)),
            pl.BlockSpec((tg, 1), lambda i: (i, 0)),
            pl.BlockSpec((tg, 1), lambda i: (i, 0)),
            pl.BlockSpec((1, e), lambda i: (0, 0)),
        ],
        out_shape=[
            jax.ShapeDtypeStruct((n, 1), jnp.int32),
            jax.ShapeDtypeStruct((n, 1), jnp.int32),
            jax.ShapeDtypeStruct((n, 1), jnp.float32),
            jax.ShapeDtypeStruct((n, 1), jnp.float32),
            jax.ShapeDtypeStruct((1, e), jnp.int32),
        ],
        scratch_shapes=[pltpu.VMEM((8, e), jnp.int32)],
    )(x, w_gate)

    pcounts = ((counts[0] + tm - 1) // tm) * tm
    poffs = jnp.concatenate(
        [jnp.zeros((1,), jnp.int32), jnp.cumsum(pcounts).astype(jnp.int32)])
    n_active = (poffs[e] // tm).reshape(1)

    tr = 512
    tn_pad = ((tn + 7) // 8) * 8
    pos0, pos1, te = pl.pallas_call(
        functools.partial(_routing_body, tm=tm),
        grid=(n // tr,),
        in_specs=[
            pl.BlockSpec((tr, 1), lambda i: (i, 0)),
            pl.BlockSpec((tr, 1), lambda i: (i, 0)),
            pl.BlockSpec((1, e + 1), lambda i: (0, 0)),
        ],
        out_specs=[
            pl.BlockSpec((tr, 1), lambda i: (i, 0)),
            pl.BlockSpec((tr, 1), lambda i: (i, 0)),
            pl.BlockSpec((tn_pad, 1), lambda i: (0, 0)),
        ],
        out_shape=[
            jax.ShapeDtypeStruct((n, 1), jnp.int32),
            jax.ShapeDtypeStruct((n, 1), jnp.int32),
            jax.ShapeDtypeStruct((tn_pad, 1), jnp.int32),
        ],
        scratch_shapes=[pltpu.VMEM((8, e), jnp.int32),
                        pltpu.VMEM((2 * tr, 2 * tr), jnp.float32)],
    )(i1, i2, poffs.reshape(1, e + 1))
    pos0 = pos0.reshape(n)
    pos1 = pos1.reshape(n)
    tile_expert = te.reshape(tn_pad)[:tn]

    xs = _sc_scatter_rows(x, pos0, pos1, p)

    grid_spec = pltpu.PrefetchScalarGridSpec(
        num_scalar_prefetch=2,
        grid=(tn,),
        in_specs=[
            pl.BlockSpec((tm, d),
                         lambda i, te, na: (jnp.minimum(i, na[0] - 1), 0)),
            pl.BlockSpec((1, d, h), lambda i, te, na: (te[i], 0, 0)),
            pl.BlockSpec((1, 1, h), lambda i, te, na: (te[i], 0, 0)),
            pl.BlockSpec((1, h, out_d), lambda i, te, na: (te[i], 0, 0)),
            pl.BlockSpec((1, 1, out_d), lambda i, te, na: (te[i], 0, 0)),
        ],
        out_specs=pl.BlockSpec(
            (tm, out_d), lambda i, te, na: (jnp.minimum(i, na[0] - 1), 0)),
    )
    ys = pl.pallas_call(
        _gmm_body,
        grid_spec=grid_spec,
        out_shape=jax.ShapeDtypeStruct((p, out_d), jnp.float32),
    )(tile_expert, n_active, xs, W1, b1.reshape(e, 1, h), W2,
      b2.reshape(e, 1, out_d))

    yt = _sc_gather(ys, jnp.concatenate([pos0, pos1]))

    tb = 1024
    out = pl.pallas_call(
        _combine_body,
        grid=(n // tb,),
        in_specs=[
            pl.BlockSpec((tb, out_d), lambda i: (i, 0)),
            pl.BlockSpec((tb, out_d), lambda i: (i + n // tb, 0)),
            pl.BlockSpec((tb, 1), lambda i: (i, 0)),
            pl.BlockSpec((tb, 1), lambda i: (i, 0)),
        ],
        out_specs=pl.BlockSpec((tb, out_d), lambda i: (i, 0)),
        out_shape=jax.ShapeDtypeStruct((n, out_d), jnp.float32),
    )(yt, yt, g1, g2)
    return out

# --- scband reference (transcript-rebuilt; emitter-appended) ---
"""Pipeline reference for scband-mo-ce-78237124263950 (READ-ONLY COPY).

The authoritative reference and input builder live on the scoring server;
editing this copy changes nothing except your own understanding.
"""

import jax, jax.numpy as jnp
import numpy as np

K_TOP = 2


def setup_inputs(seed: int = 0) -> dict:
    key = jax.random.key(seed)
    ks = jax.random.split(key, 6)
    N, D, E, H, OUT = 4096, 768, 64, 768, 768
    x = jax.random.normal(ks[0], (N, D), dtype=jnp.float32)
    # gating weight (nn.Parameter w_gate); initialized randomly so routing is non-degenerate
    w_gate = jax.random.normal(ks[1], (D, E), dtype=jnp.float32) * 0.02
    # per-expert MLP params: fc1 [D->H], fc2 [H->OUT]
    W1 = jax.random.normal(ks[2], (E, D, H), dtype=jnp.float32) * (1.0 / np.sqrt(D))
    b1 = jnp.zeros((E, H), dtype=jnp.float32)
    W2 = jax.random.normal(ks[3], (E, H, OUT), dtype=jnp.float32) * (1.0 / np.sqrt(H))
    b2 = jnp.zeros((E, OUT), dtype=jnp.float32)
    return {"x": x, "w_gate": w_gate, "W1": W1, "b1": b1, "W2": W2, "b2": b2}


def _mlp_expert(xe, W1e, b1e, W2e, b2e):
    # MLP.forward with dropout=0 (eval): fc1 -> relu -> fc2 -> tanh * 10
    h = jnp.maximum(xe @ W1e + b1e, 0.0)
    return jnp.tanh(h @ W2e + b2e) * 10.0


def reference(x, w_gate, W1, b1, W2, b2):
    N = x.shape[0]
    E = w_gate.shape[1]
    OUT = W2.shape[2]
    # noisy top-k gating in eval mode (no noise): clean logits, top-k softmax gates
    logits = x @ w_gate
    top_logits, top_idx = jax.lax.top_k(logits, K_TOP)
    top_gates = jax.nn.softmax(top_logits, axis=1)
    gates = jnp.zeros((N, E), dtype=x.dtype).at[jnp.arange(N)[:, None], top_idx].set(top_gates)
    # SparseDispatcher.dispatch/combine: per-expert MLP with gate-masked accumulation

    def _body(e, combined):
        out_e = _mlp_expert(x, W1[e], b1[e], W2[e], b2[e])
        g = gates[:, e][:, None]
        # stitched = exp(expert_out) * gate; unrouted tokens contribute exactly 0.0
        return combined + jnp.where(g > 0, jnp.exp(out_e) * g, 0.0)

    combined = jax.lax.fori_loop(0, E, _body, jnp.zeros((N, OUT), dtype=jnp.float32))
    eps = np.finfo(float).eps
    combined = jnp.where(combined == 0, eps, combined)
    return jnp.log(combined)

if __name__ == "__main__":
    import jax
    _d = setup_inputs()
    print(jax.jit(kernel)(*tuple(_d.values())))

</pallas_src>

<mosaic_0001>
#map = affine_map<(d0, d1) -> (0, 0)>
#map1 = affine_map<(d0, d1) -> (0)>
module attributes {stable_mosaic.version = 14 : i64} {
  func.func @gather_k(%arg0: i32, %arg1: i32, %arg2: memref<20544x768xf32, #tpu.memory_space<hbm>>, %arg3: memref<8192xi32, #tpu.memory_space<hbm>>, %arg4: memref<8192x768xf32, #tpu.memory_space<hbm>>, %arg5: memref<2x128xi32, #tpu.memory_space<vmem>>, %arg6: memref<128x768xf32, #tpu.memory_space<vmem>>, %arg7: memref<!tpu.dma_semaphore, #tpu.memory_space<semaphore_mem>>) attributes {dimension_semantics = [#tpu.dimension_semantics<core_parallel>, #tpu.dimension_semantics<subcore_parallel>], iteration_bounds = array<i64: 2, 16>, scalar_prefetch = 0 : i64, scratch_operands = 3 : i64, tpu.core_type = #tpu.core_type<sc_vector_subcore>, window_params = [{transform_indices = #map}, {transform_indices = #map1}, {transform_indices = #map}]} {
    %mul3A = arith.constant 2 : i32
    %mul3A_0 = arith.muli %arg1, %mul3A : i32
    %add3A = arith.addi %mul3A_0, %arg0 : i32
    %mul3A_1 = arith.constant 256 : i32
    %mul3A_2 = arith.muli %add3A, %mul3A_1 : i32
    %add3A_3 = arith.constant 0 : i32
    %add3A_4 = arith.addi %mul3A_2, %add3A_3 : i32
    %run_scoped3A = arith.constant 0 : i32
    "tpu.region"() ({
      %run_scoped3A_38 = tpu.sem_alloc : memref<!tpu.dma_semaphore, #tpu.memory_space<semaphore_mem>>
      %dma_start3A_39 = arith.constant 0 : i32
      %dma_start3A_40 = tpu.memref_slice %arg5[%run_scoped3A, %dma_start3A_39] : memref<2x128xi32, #tpu.memory_space<vmem>> -> memref<1x128xi32, #tpu.memory_space<vmem>>
      %dma_start3A_41 = tpu.memref_squeeze %dma_start3A_40 : memref<1x128xi32, #tpu.memory_space<vmem>> -> memref<128xi32, #tpu.memory_space<vmem>>
      %dma_start3A_42 = tpu.memref_slice %arg3[%add3A_4] : memref<8192xi32, #tpu.memory_space<hbm>> -> memref<128xi32, #tpu.memory_space<hbm>>
      %dma_start3A_43 = arith.constant 0 : i32
      %dma_start3A_44 = tpu.memref_slice %arg5[%run_scoped3A, %dma_start3A_43] : memref<2x128xi32, #tpu.memory_space<vmem>> -> memref<1x128xi32, #tpu.memory_space<vmem>>
      %dma_start3A_45 = tpu.memref_squeeze %dma_start3A_44 : memref<1x128xi32, #tpu.memory_space<vmem>> -> memref<128xi32, #tpu.memory_space<vmem>>
      %dma_start3A_46 = tpu.memref_slice %arg3[%add3A_4] : memref<8192xi32, #tpu.memory_space<hbm>> -> memref<128xi32, #tpu.memory_space<hbm>>
      tpu.enqueue_dma source(%dma_start3A_46 : memref<128xi32, #tpu.memory_space<hbm>>) target(%dma_start3A_45 : memref<128xi32, #tpu.memory_space<vmem>>) target_semaphore(%run_scoped3A_38 : memref<!tpu.dma_semaphore, #tpu.memory_space<semaphore_mem>>)
      %dma_wait3A_47 = arith.constant 0 : i32
      %dma_wait3A_48 = tpu.memref_slice %arg5[%run_scoped3A, %dma_wait3A_47] : memref<2x128xi32, #tpu.memory_space<vmem>> -> memref<1x128xi32, #tpu.memory_space<vmem>>
      %dma_wait3A_49 = tpu.memref_squeeze %dma_wait3A_48 : memref<1x128xi32, #tpu.memory_space<vmem>> -> memref<128xi32, #tpu.memory_space<vmem>>
      %dma_wait3A_50 = tpu.memref_slice %arg3[%add3A_4] : memref<8192xi32, #tpu.memory_space<hbm>> -> memref<128xi32, #tpu.memory_space<hbm>>
      %dma_wait3A_51 = arith.constant 0 : i32
      %dma_wait3A_52 = tpu.memref_slice %arg5[%run_scoped3A, %dma_wait3A_51] : memref<2x128xi32, #tpu.memory_space<vmem>> -> memref<1x128xi32, #tpu.memory_space<vmem>>
      %dma_wait3A_53 = tpu.memref_squeeze %dma_wait3A_52 : memref<1x128xi32, #tpu.memory_space<vmem>> -> memref<128xi32, #tpu.memory_space<vmem>>
      %dma_wait3A_54 = tpu.memref_slice %arg3[%add3A_4] : memref<8192xi32, #tpu.memory_space<hbm>> -> memref<128xi32, #tpu.memory_space<hbm>>
      tpu.wait_dma2 semaphore(%run_scoped3A_38 : memref<!tpu.dma_semaphore, #tpu.memory_space<semaphore_mem>>) src(%dma_wait3A_54 : memref<128xi32, #tpu.memory_space<hbm>>) dst(%dma_wait3A_53 : memref<128xi32, #tpu.memory_space<vmem>>)
      tpu.yield
    }) : () -> ()
    %add3A_5 = arith.constant 128 : i32
    %add3A_6 = arith.addi %mul3A_2, %add3A_5 : i32
    %run_scoped3A_7 = arith.constant 1 : i32
    "tpu.region"() ({
      %run_scoped3A_38 = tpu.sem_alloc : memref<!tpu.dma_semaphore, #tpu.memory_space<semaphore_mem>>
      %dma_start3A_39 = arith.constant 0 : i32
      %dma_start3A_40 = tpu.memref_slice %arg5[%run_scoped3A_7, %dma_start3A_39] : memref<2x128xi32, #tpu.memory_space<vmem>> -> memref<1x128xi32, #tpu.memory_space<vmem>>
      %dma_start3A_41 = tpu.memref_squeeze %dma_start3A_40 : memref<1x128xi32, #tpu.memory_space<vmem>> -> memref<128xi32, #tpu.memory_space<vmem>>
      %dma_start3A_42 = tpu.memref_slice %arg3[%add3A_6] : memref<8192xi32, #tpu.memory_space<hbm>> -> memref<128xi32, #tpu.memory_space<hbm>>
      %dma_start3A_43 = arith.constant 0 : i32
      %dma_start3A_44 = tpu.memref_slice %arg5[%run_scoped3A_7, %dma_start3A_43] : memref<2x128xi32, #tpu.memory_space<vmem>> -> memref<1x128xi32, #tpu.memory_space<vmem>>
      %dma_start3A_45 = tpu.memref_squeeze %dma_start3A_44 : memref<1x128xi32, #tpu.memory_space<vmem>> -> memref<128xi32, #tpu.memory_space<vmem>>
      %dma_start3A_46 = tpu.memref_slice %arg3[%add3A_6] : memref<8192xi32, #tpu.memory_space<hbm>> -> memref<128xi32, #tpu.memory_space<hbm>>
      tpu.enqueue_dma source(%dma_start3A_46 : memref<128xi32, #tpu.memory_space<hbm>>) target(%dma_start3A_45 : memref<128xi32, #tpu.memory_space<vmem>>) target_semaphore(%run_scoped3A_38 : memref<!tpu.dma_semaphore, #tpu.memory_space<semaphore_mem>>)
      %dma_wait3A_47 = arith.constant 0 : i32
      %dma_wait3A_48 = tpu.memref_slice %arg5[%run_scoped3A_7, %dma_wait3A_47] : memref<2x128xi32, #tpu.memory_space<vmem>> -> memref<1x128xi32, #tpu.memory_space<vmem>>
      %dma_wait3A_49 = tpu.memref_squeeze %dma_wait3A_48 : memref<1x128xi32, #tpu.memory_space<vmem>> -> memref<128xi32, #tpu.memory_space<vmem>>
      %dma_wait3A_50 = tpu.memref_slice %arg3[%add3A_6] : memref<8192xi32, #tpu.memory_space<hbm>> -> memref<128xi32, #tpu.memory_space<hbm>>
      %dma_wait3A_51 = arith.constant 0 : i32
      %dma_wait3A_52 = tpu.memref_slice %arg5[%run_scoped3A_7, %dma_wait3A_51] : memref<2x128xi32, #tpu.memory_space<vmem>> -> memref<1x128xi32, #tpu.memory_space<vmem>>
      %dma_wait3A_53 = tpu.memref_squeeze %dma_wait3A_52 : memref<1x128xi32, #tpu.memory_space<vmem>> -> memref<128xi32, #tpu.memory_space<vmem>>
      %dma_wait3A_54 = tpu.memref_slice %arg3[%add3A_6] : memref<8192xi32, #tpu.memory_space<hbm>> -> memref<128xi32, #tpu.memory_space<hbm>>
      tpu.wait_dma2 semaphore(%run_scoped3A_38 : memref<!tpu.dma_semaphore, #tpu.memory_space<semaphore_mem>>) src(%dma_wait3A_54 : memref<128xi32, #tpu.memory_space<hbm>>) dst(%dma_wait3A_53 : memref<128xi32, #tpu.memory_space<vmem>>)
      tpu.yield
    }) : () -> ()
    %dma_start3A = arith.constant 0 : i32
    %dma_start3A_8 = arith.constant 0 : i32
    %dma_start3A_9 = tpu.memref_slice %arg5[%dma_start3A, %dma_start3A_8] : memref<2x128xi32, #tpu.memory_space<vmem>> -> memref<1x128xi32, #tpu.memory_space<vmem>>
    %dma_start3A_10 = tpu.memref_squeeze %dma_start3A_9 : memref<1x128xi32, #tpu.memory_space<vmem>> -> memref<128xi32, #tpu.memory_space<vmem>>
    %dma_start3A_11 = arith.constant 0 : i32
    %dma_start3A_12 = arith.constant 0 : i32
    %dma_start3A_13 = tpu.memref_slice %arg2[%dma_start3A_11, %dma_start3A_12] : memref<20544x768xf32, #tpu.memory_space<hbm>> -> memref<20544x768xf32, #tpu.memory_space<hbm>>
    tpu.enqueue_indirect_dma source(%dma_start3A_13 : memref<20544x768xf32, #tpu.memory_space<hbm>>) target(%arg6 : memref<128x768xf32, #tpu.memory_space<vmem>>) offsets(%dma_start3A_10 : memref<128xi32, #tpu.memory_space<vmem>>) semaphore(%arg7 : memref<!tpu.dma_semaphore, #tpu.memory_space<semaphore_mem>>)
    %dma_wait3A = arith.constant 0 : i32
    %dma_wait3A_14 = arith.constant 0 : i32
    %dma_wait3A_15 = tpu.memref_slice %arg5[%dma_wait3A, %dma_wait3A_14] : memref<2x128xi32, #tpu.memory_space<vmem>> -> memref<1x128xi32, #tpu.memory_space<vmem>>
    %dma_wait3A_16 = tpu.memref_squeeze %dma_wait3A_15 : memref<1x128xi32, #tpu.memory_space<vmem>> -> memref<128xi32, #tpu.memory_space<vmem>>
    %dma_wait3A_17 = arith.constant 0 : i32
    %dma_wait3A_18 = arith.constant 0 : i32
    %dma_wait3A_19 = tpu.memref_slice %arg2[%dma_wait3A_17, %dma_wait3A_18] : memref<20544x768xf32, #tpu.memory_space<hbm>> -> memref<20544x768xf32, #tpu.memory_space<hbm>>
    tpu.wait_indirect_dma semaphore(%arg7 : memref<!tpu.dma_semaphore, #tpu.memory_space<semaphore_mem>>) src(%dma_wait3A_19 : memref<20544x768xf32, #tpu.memory_space<hbm>>) dst(%arg6 : memref<128x768xf32, #tpu.memory_space<vmem>>)
    %add3A_20 = arith.constant 0 : i32
    %add3A_21 = arith.addi %mul3A_2, %add3A_20 : i32
    "tpu.region"() ({
      %run_scoped3A_38 = tpu.sem_alloc : memref<!tpu.dma_semaphore, #tpu.memory_space<semaphore_mem>>
      %dma_start3A_39 = arith.constant 0 : i32
      %dma_start3A_40 = tpu.memref_slice %arg4[%add3A_21, %dma_start3A_39] : memref<8192x768xf32, #tpu.memory_space<hbm>> -> memref<128x768xf32, #tpu.memory_space<hbm>>
      %dma_start3A_41 = arith.constant 0 : i32
      %dma_start3A_42 = tpu.memref_slice %arg4[%add3A_21, %dma_start3A_41] : memref<8192x768xf32, #tpu.memory_space<hbm>> -> memref<128x768xf32, #tpu.memory_space<hbm>>
      tpu.enqueue_dma source(%arg6 : memref<128x768xf32, #tpu.memory_space<vmem>>) target(%dma_start3A_42 : memref<128x768xf32, #tpu.memory_space<hbm>>) target_semaphore(%run_scoped3A_38 : memref<!tpu.dma_semaphore, #tpu.memory_space<semaphore_mem>>)
      %dma_wait3A_43 = arith.constant 0 : i32
      %dma_wait3A_44 = tpu.memref_slice %arg4[%add3A_21, %dma_wait3A_43] : memref<8192x768xf32, #tpu.memory_space<hbm>> -> memref<128x768xf32, #tpu.memory_space<hbm>>
      %dma_wait3A_45 = arith.constant 0 : i32
      %dma_wait3A_46 = tpu.memref_slice %arg4[%add3A_21, %dma_wait3A_45] : memref<8192x768xf32, #tpu.memory_space<hbm>> -> memref<128x768xf32, #tpu.memory_space<hbm>>
      tpu.wait_dma2 semaphore(%run_scoped3A_38 : memref<!tpu.dma_semaphore, #tpu.memory_space<semaphore_mem>>) src(%arg6 : memref<128x768xf32, #tpu.memory_space<vmem>>) dst(%dma_wait3A_46 : memref<128x768xf32, #tpu.memory_space<hbm>>)
      tpu.yield
    }) : () -> ()
    %dma_start3A_22 = arith.constant 1 : i32
    %dma_start3A_23 = arith.constant 0 : i32
    %dma_start3A_24 = tpu.memref_slice %arg5[%dma_start3A_22, %dma_start3A_23] : memref<2x128xi32, #tpu.memory_space<vmem>> -> memref<1x128xi32, #tpu.memory_space<vmem>>
    %dma_start3A_25 = tpu.memref_squeeze %dma_start3A_24 : memref<1x128xi32, #tpu.memory_space<vmem>> -> memref<128xi32, #tpu.memory_space<vmem>>
    %dma_start3A_26 = arith.constant 0 : i32
    %dma_start3A_27 = arith.constant 0 : i32
    %dma_start3A_28 = tpu.memref_slice %arg2[%dma_start3A_26, %dma_start3A_27] : memref<20544x768xf32, #tpu.memory_space<hbm>> -> memref<20544x768xf32, #tpu.memory_space<hbm>>
    tpu.enqueue_indirect_dma source(%dma_start3A_28 : memref<20544x768xf32, #tpu.memory_space<hbm>>) target(%arg6 : memref<128x768xf32, #tpu.memory_space<vmem>>) offsets(%dma_start3A_25 : memref<128xi32, #tpu.memory_space<vmem>>) semaphore(%arg7 : memref<!tpu.dma_semaphore, #tpu.memory_space<semaphore_mem>>)
    %dma_wait3A_29 = arith.constant 1 : i32
    %dma_wait3A_30 = arith.constant 0 : i32
    %dma_wait3A_31 = tpu.memref_slice %arg5[%dma_wait3A_29, %dma_wait3A_30] : memref<2x128xi32, #tpu.memory_space<vmem>> -> memref<1x128xi32, #tpu.memory_space<vmem>>
    %dma_wait3A_32 = tpu.memref_squeeze %dma_wait3A_31 : memref<1x128xi32, #tpu.memory_space<vmem>> -> memref<128xi32, #tpu.memory_space<vmem>>
    %dma_wait3A_33 = arith.constant 0 : i32
    %dma_wait3A_34 = arith.constant 0 : i32
    %dma_wait3A_35 = tpu.memref_slice %arg2[%dma_wait3A_33, %dma_wait3A_34] : memref<20544x768xf32, #tpu.memory_space<hbm>> -> memref<20544x768xf32, #tpu.memory_space<hbm>>
    tpu.wait_indirect_dma semaphore(%arg7 : memref<!tpu.dma_semaphore, #tpu.memory_space<semaphore_mem>>) src(%dma_wait3A_35 : memref<20544x768xf32, #tpu.memory_space<hbm>>) dst(%arg6 : memref<128x768xf32, #tpu.memory_space<vmem>>)
    %add3A_36 = arith.constant 128 : i32
    %add3A_37 = arith.addi %mul3A_2, %add3A_36 : i32
    "tpu.region"() ({
      %run_scoped3A_38 = tpu.sem_alloc : memref<!tpu.dma_semaphore, #tpu.memory_space<semaphore_mem>>
      %dma_start3A_39 = arith.constant 0 : i32
      %dma_start3A_40 = tpu.memref_slice %arg4[%add3A_37, %dma_start3A_39] : memref<8192x768xf32, #tpu.memory_space<hbm>> -> memref<128x768xf32, #tpu.memory_space<hbm>>
      %dma_start3A_41 = arith.constant 0 : i32
      %dma_start3A_42 = tpu.memref_slice %arg4[%add3A_37, %dma_start3A_41] : memref<8192x768xf32, #tpu.memory_space<hbm>> -> memref<128x768xf32, #tpu.memory_space<hbm>>
      tpu.enqueue_dma source(%arg6 : memref<128x768xf32, #tpu.memory_space<vmem>>) target(%dma_start3A_42 : memref<128x768xf32, #tpu.memory_space<hbm>>) target_semaphore(%run_scoped3A_38 : memref<!tpu.dma_semaphore, #tpu.memory_space<semaphore_mem>>)
      %dma_wait3A_43 = arith.constant 0 : i32
      %dma_wait3A_44 = tpu.memref_slice %arg4[%add3A_37, %dma_wait3A_43] : memref<8192x768xf32, #tpu.memory_space<hbm>> -> memref<128x768xf32, #tpu.memory_space<hbm>>
      %dma_wait3A_45 = arith.constant 0 : i32
      %dma_wait3A_46 = tpu.memref_slice %arg4[%add3A_37, %dma_wait3A_45] : memref<8192x768xf32, #tpu.memory_space<hbm>> -> memref<128x768xf32, #tpu.memory_space<hbm>>
      tpu.wait_dma2 semaphore(%run_scoped3A_38 : memref<!tpu.dma_semaphore, #tpu.memory_space<semaphore_mem>>) src(%arg6 : memref<128x768xf32, #tpu.memory_space<vmem>>) dst(%dma_wait3A_46 : memref<128x768xf32, #tpu.memory_space<hbm>>)
      tpu.yield
    }) : () -> ()
    return
  }
}

#map = affine_map<(d0, d1) -> (0, 0)>
#map1 = affine_map<(d0, d1) -> (0)>
module attributes {stable_mosaic.version = 14 : i64} {
  func.func @scatter_k(%arg0: i32, %arg1: i32, %arg2: memref<4096x768xf32, #tpu.memory_space<hbm>>, %arg3: memref<4096xi32, #tpu.memory_space<hbm>>, %arg4: memref<4096xi32, #tpu.memory_space<hbm>>, %arg5: memref<20544x768xf32, #tpu.memory_space<hbm>>, %arg6: memref<2x128xi32, #tpu.memory_space<vmem>>, %arg7: memref<128x768xf32, #tpu.memory_space<vmem>>, %arg8: memref<!tpu.dma_semaphore, #tpu.memory_space<semaphore_mem>>) attributes {dimension_semantics = [#tpu.dimension_semantics<core_parallel>, #tpu.dimension_semantics<subcore_parallel>], iteration_bounds = array<i64: 2, 16>, scalar_prefetch = 0 : i64, scratch_operands = 3 : i64, tpu.core_type = #tpu.core_type<sc_vector_subcore>, window_params = [{transform_indices = #map}, {transform_indices = #map1}, {transform_indices = #map1}, {transform_indices = #map}]} {
    %mul3A = arith.constant 2 : i32
    %mul3A_0 = arith.muli %arg1, %mul3A : i32
    %add3A = arith.addi %mul3A_0, %arg0 : i32
    %mul3A_1 = arith.constant 128 : i32
    %mul3A_2 = arith.muli %add3A, %mul3A_1 : i32
    %add3A_3 = arith.constant 0 : i32
    %add3A_4 = arith.addi %mul3A_2, %add3A_3 : i32
    %dma_start3A = arith.constant 0 : i32
    %dma_start3A_5 = arith.constant 0 : i32
    %dma_start3A_6 = tpu.memref_slice %arg6[%dma_start3A, %dma_start3A_5] : memref<2x128xi32, #tpu.memory_space<vmem>> -> memref<1x128xi32, #tpu.memory_space<vmem>>
    %dma_start3A_7 = tpu.memref_squeeze %dma_start3A_6 : memref<1x128xi32, #tpu.memory_space<vmem>> -> memref<128xi32, #tpu.memory_space<vmem>>
    %dma_start3A_8 = tpu.memref_slice %arg3[%add3A_4] : memref<4096xi32, #tpu.memory_space<hbm>> -> memref<128xi32, #tpu.memory_space<hbm>>
    %dma_start3A_9 = arith.constant 0 : i32
    %dma_start3A_10 = tpu.memref_slice %arg6[%dma_start3A, %dma_start3A_9] : memref<2x128xi32, #tpu.memory_space<vmem>> -> memref<1x128xi32, #tpu.memory_space<vmem>>
    %dma_start3A_11 = tpu.memref_squeeze %dma_start3A_10 : memref<1x128xi32, #tpu.memory_space<vmem>> -> memref<128xi32, #tpu.memory_space<vmem>>
    %dma_start3A_12 = tpu.memref_slice %arg3[%add3A_4] : memref<4096xi32, #tpu.memory_space<hbm>> -> memref<128xi32, #tpu.memory_space<hbm>>
    tpu.enqueue_dma source(%dma_start3A_12 : memref<128xi32, #tpu.memory_space<hbm>>) target(%dma_start3A_11 : memref<128xi32, #tpu.memory_space<vmem>>) target_semaphore(%arg8 : memref<!tpu.dma_semaphore, #tpu.memory_space<semaphore_mem>>)
    %dma_start3A_13 = arith.constant 1 : i32
    %dma_start3A_14 = arith.constant 0 : i32
    %dma_start3A_15 = tpu.memref_slice %arg6[%dma_start3A_13, %dma_start3A_14] : memref<2x128xi32, #tpu.memory_space<vmem>> -> memref<1x128xi32, #tpu.memory_space<vmem>>
    %dma_start3A_16 = tpu.memref_squeeze %dma_start3A_15 : memref<1x128xi32, #tpu.memory_space<vmem>> -> memref<128xi32, #tpu.memory_space<vmem>>
    %dma_start3A_17 = tpu.memref_slice %arg4[%add3A_4] : memref<4096xi32, #tpu.memory_space<hbm>> -> memref<128xi32, #tpu.memory_space<hbm>>
    %dma_start3A_18 = arith.constant 0 : i32
    %dma_start3A_19 = tpu.memref_slice %arg6[%dma_start3A_13, %dma_start3A_18] : memref<2x128xi32, #tpu.memory_space<vmem>> -> memref<1x128xi32, #tpu.memory_space<vmem>>
    %dma_start3A_20 = tpu.memref_squeeze %dma_start3A_19 : memref<1x128xi32, #tpu.memory_space<vmem>> -> memref<128xi32, #tpu.memory_space<vmem>>
    %dma_start3A_21 = tpu.memref_slice %arg4[%add3A_4] : memref<4096xi32, #tpu.memory_space<hbm>> -> memref<128xi32, #tpu.memory_space<hbm>>
    tpu.enqueue_dma source(%dma_start3A_21 : memref<128xi32, #tpu.memory_space<hbm>>) target(%dma_start3A_20 : memref<128xi32, #tpu.memory_space<vmem>>) target_semaphore(%arg8 : memref<!tpu.dma_semaphore, #tpu.memory_space<semaphore_mem>>)
    %dma_start3A_22 = arith.constant 0 : i32
    %dma_start3A_23 = tpu.memref_slice %arg2[%add3A_4, %dma_start3A_22] : memref<4096x768xf32, #tpu.memory_space<hbm>> -> memref<128x768xf32, #tpu.memory_space<hbm>>
    %dma_start3A_24 = arith.constant 0 : i32
    %dma_start3A_25 = tpu.memref_slice %arg2[%add3A_4, %dma_start3A_24] : memref<4096x768xf32, #tpu.memory_space<hbm>> -> memref<128x768xf32, #tpu.memory_space<hbm>>
    tpu.enqueue_dma source(%dma_start3A_25 : memref<128x768xf32, #tpu.memory_space<hbm>>) target(%arg7 : memref<128x768xf32, #tpu.memory_space<vmem>>) target_semaphore(%arg8 : memref<!tpu.dma_semaphore, #tpu.memory_space<semaphore_mem>>)
    %dma_wait3A = arith.constant 0 : i32
    %dma_wait3A_26 = arith.constant 0 : i32
    %dma_wait3A_27 = tpu.memref_slice %arg6[%dma_wait3A, %dma_wait3A_26] : memref<2x128xi32, #tpu.memory_space<vmem>> -> memref<1x128xi32, #tpu.memory_space<vmem>>
    %dma_wait3A_28 = tpu.memref_squeeze %dma_wait3A_27 : memref<1x128xi32, #tpu.memory_space<vmem>> -> memref<128xi32, #tpu.memory_space<vmem>>
    %dma_wait3A_29 = tpu.memref_slice %arg3[%add3A_4] : memref<4096xi32, #tpu.memory_space<hbm>> -> memref<128xi32, #tpu.memory_space<hbm>>
    %dma_wait3A_30 = arith.constant 0 : i32
    %dma_wait3A_31 = tpu.memref_slice %arg6[%dma_wait3A, %dma_wait3A_30] : memref<2x128xi32, #tpu.memory_space<vmem>> -> memref<1x128xi32, #tpu.memory_space<vmem>>
    %dma_wait3A_32 = tpu.memref_squeeze %dma_wait3A_31 : memref<1x128xi32, #tpu.memory_space<vmem>> -> memref<128xi32, #tpu.memory_space<vmem>>
    %dma_wait3A_33 = tpu.memref_slice %arg3[%add3A_4] : memref<4096xi32, #tpu.memory_space<hbm>> -> memref<128xi32, #tpu.memory_space<hbm>>
    tpu.wait_dma2 semaphore(%arg8 : memref<!tpu.dma_semaphore, #tpu.memory_space<semaphore_mem>>) src(%dma_wait3A_33 : memref<128xi32, #tpu.memory_space<hbm>>) dst(%dma_wait3A_32 : memref<128xi32, #tpu.memory_space<vmem>>)
    %dma_wait3A_34 = arith.constant 1 : i32
    %dma_wait3A_35 = arith.constant 0 : i32
    %dma_wait3A_36 = tpu.memref_slice %arg6[%dma_wait3A_34, %dma_wait3A_35] : memref<2x128xi32, #tpu.memory_space<vmem>> -> memref<1x128xi32, #tpu.memory_space<vmem>>
    %dma_wait3A_37 = tpu.memref_squeeze %dma_wait3A_36 : memref<1x128xi32, #tpu.memory_space<vmem>> -> memref<128xi32, #tpu.memory_space<vmem>>
    %dma_wait3A_38 = tpu.memref_slice %arg4[%add3A_4] : memref<4096xi32, #tpu.memory_space<hbm>> -> memref<128xi32, #tpu.memory_space<hbm>>
    %dma_wait3A_39 = arith.constant 0 : i32
    %dma_wait3A_40 = tpu.memref_slice %arg6[%dma_wait3A_34, %dma_wait3A_39] : memref<2x128xi32, #tpu.memory_space<vmem>> -> memref<1x128xi32, #tpu.memory_space<vmem>>
    %dma_wait3A_41 = tpu.memref_squeeze %dma_wait3A_40 : memref<1x128xi32, #tpu.memory_space<vmem>> -> memref<128xi32, #tpu.memory_space<vmem>>
    %dma_wait3A_42 = tpu.memref_slice %arg4[%add3A_4] : memref<4096xi32, #tpu.memory_space<hbm>> -> memref<128xi32, #tpu.memory_space<hbm>>
    tpu.wait_dma2 semaphore(%arg8 : memref<!tpu.dma_semaphore, #tpu.memory_space<semaphore_mem>>) src(%dma_wait3A_42 : memref<128xi32, #tpu.memory_space<hbm>>) dst(%dma_wait3A_41 : memref<128xi32, #tpu.memory_space<vmem>>)
    %dma_wait3A_43 = arith.constant 0 : i32
    %dma_wait3A_44 = tpu.memref_slice %arg2[%add3A_4, %dma_wait3A_43] : memref<4096x768xf32, #tpu.memory_space<hbm>> -> memref<128x768xf32, #tpu.memory_space<hbm>>
    %dma_wait3A_45 = arith.constant 0 : i32
    %dma_wait3A_46 = tpu.memref_slice %arg2[%add3A_4, %dma_wait3A_45] : memref<4096x768xf32, #tpu.memory_space<hbm>> -> memref<128x768xf32, #tpu.memory_space<hbm>>
    tpu.wait_dma2 semaphore(%arg8 : memref<!tpu.dma_semaphore, #tpu.memory_space<semaphore_mem>>) src(%dma_wait3A_46 : memref<128x768xf32, #tpu.memory_space<hbm>>) dst(%arg7 : memref<128x768xf32, #tpu.memory_space<vmem>>)
    %dma_start3A_47 = arith.constant 0 : i32
    %dma_start3A_48 = arith.constant 0 : i32
    %dma_start3A_49 = tpu.memref_slice %arg6[%dma_start3A_47, %dma_start3A_48] : memref<2x128xi32, #tpu.memory_space<vmem>> -> memref<1x128xi32, #tpu.memory_space<vmem>>
    %dma_start3A_50 = tpu.memref_squeeze %dma_start3A_49 : memref<1x128xi32, #tpu.memory_space<vmem>> -> memref<128xi32, #tpu.memory_space<vmem>>
    %dma_start3A_51 = arith.constant 0 : i32
    %dma_start3A_52 = arith.constant 0 : i32
    %dma_start3A_53 = tpu.memref_slice %arg5[%dma_start3A_51, %dma_start3A_52] : memref<20544x768xf32, #tpu.memory_space<hbm>> -> memref<20544x768xf32, #tpu.memory_space<hbm>>
    tpu.enqueue_indirect_dma source(%arg7 : memref<128x768xf32, #tpu.memory_space<vmem>>) target(%dma_start3A_53 : memref<20544x768xf32, #tpu.memory_space<hbm>>) offsets(%dma_start3A_50 : memref<128xi32, #tpu.memory_space<vmem>>) semaphore(%arg8 : memref<!tpu.dma_semaphore, #tpu.memory_space<semaphore_mem>>)
    %dma_start3A_54 = arith.constant 1 : i32
    %dma_start3A_55 = arith.constant 0 : i32
    %dma_start3A_56 = tpu.memref_slice %arg6[%dma_start3A_54, %dma_start3A_55] : memref<2x128xi32, #tpu.memory_space<vmem>> -> memref<1x128xi32, #tpu.memory_space<vmem>>
    %dma_start3A_57 = tpu.memref_squeeze %dma_start3A_56 : memref<1x128xi32, #tpu.memory_space<vmem>> -> memref<128xi32, #tpu.memory_space<vmem>>
    %dma_start3A_58 = arith.constant 0 : i32
    %dma_start3A_59 = arith.constant 0 : i32
    %dma_start3A_60 = tpu.memref_slice %arg5[%dma_start3A_58, %dma_start3A_59] : memref<20544x768xf32, #tpu.memory_space<hbm>> -> memref<20544x768xf32, #tpu.memory_space<hbm>>
    tpu.enqueue_indirect_dma source(%arg7 : memref<128x768xf32, #tpu.memory_space<vmem>>) target(%dma_start3A_60 : memref<20544x768xf32, #tpu.memory_space<hbm>>) offsets(%dma_start3A_57 : memref<128xi32, #tpu.memory_space<vmem>>) semaphore(%arg8 : memref<!tpu.dma_semaphore, #tpu.memory_space<semaphore_mem>>)
    %dma_wait3A_61 = arith.constant 0 : i32
    %dma_wait3A_62 = arith.constant 0 : i32
    %dma_wait3A_63 = tpu.memref_slice %arg6[%dma_wait3A_61, %dma_wait3A_62] : memref<2x128xi32, #tpu.memory_space<vmem>> -> memref<1x128xi32, #tpu.memory_space<vmem>>
    %dma_wait3A_64 = tpu.memref_squeeze %dma_wait3A_63 : memref<1x128xi32, #tpu.memory_space<vmem>> -> memref<128xi32, #tpu.memory_space<vmem>>
    %dma_wait3A_65 = arith.constant 0 : i32
    %dma_wait3A_66 = arith.constant 0 : i32
    %dma_wait3A_67 = tpu.memref_slice %arg5[%dma_wait3A_65, %dma_wait3A_66] : memref<20544x768xf32, #tpu.memory_space<hbm>> -> memref<20544x768xf32, #tpu.memory_space<hbm>>
    tpu.wait_indirect_dma semaphore(%arg8 : memref<!tpu.dma_semaphore, #tpu.memory_space<semaphore_mem>>) src(%arg7 : memref<128x768xf32, #tpu.memory_space<vmem>>) dst(%dma_wait3A_67 : memref<20544x768xf32, #tpu.memory_space<hbm>>)
    %dma_wait3A_68 = arith.constant 1 : i32
    %dma_wait3A_69 = arith.constant 0 : i32
    %dma_wait3A_70 = tpu.memref_slice %arg6[%dma_wait3A_68, %dma_wait3A_69] : memref<2x128xi32, #tpu.memory_space<vmem>> -> memref<1x128xi32, #tpu.memory_space<vmem>>
    %dma_wait3A_71 = tpu.memref_squeeze %dma_wait3A_70 : memref<1x128xi32, #tpu.memory_space<vmem>> -> memref<128xi32, #tpu.memory_space<vmem>>
    %dma_wait3A_72 = arith.constant 0 : i32
    %dma_wait3A_73 = arith.constant 0 : i32
    %dma_wait3A_74 = tpu.memref_slice %arg5[%dma_wait3A_72, %dma_wait3A_73] : memref<20544x768xf32, #tpu.memory_space<hbm>> -> memref<20544x768xf32, #tpu.memory_space<hbm>>
    tpu.wait_indirect_dma semaphore(%arg8 : memref<!tpu.dma_semaphore, #tpu.memory_space<semaphore_mem>>) src(%arg7 : memref<128x768xf32, #tpu.memory_space<vmem>>) dst(%dma_wait3A_74 : memref<20544x768xf32, #tpu.memory_space<hbm>>)
    return
  }
}

module attributes {stable_mosaic.version = 14 : i64} {
  func.func @_gating_body(%arg0: i32, %arg1: memref<1024x768xf32, #tpu.memory_space<vmem>>, %arg2: memref<768x64xf32, #tpu.memory_space<vmem>>, %arg3: memref<1024x1xi32, #tpu.memory_space<vmem>>, %arg4: memref<1024x1xi32, #tpu.memory_space<vmem>>, %arg5: memref<1024x1xf32, #tpu.memory_space<vmem>>, %arg6: memref<1024x1xf32, #tpu.memory_space<vmem>>, %arg7: memref<1x64xi32, #tpu.memory_space<vmem>>, %arg8: memref<8x64xi32, #tpu.memory_space<vmem>>) attributes {dimension_semantics = [#tpu.dimension_semantics<arbitrary>], iteration_bounds = array<i64: 4>, scalar_prefetch = 0 : i64, scratch_operands = 1 : i64, tpu.core_type = #tpu.core_type<tc>, window_params = [{transform_indices = @transform_0, window_bounds = array<i64: 1024, 768>}, {pipeline_mode = #tpu.pipeline_mode<synchronous>, transform_indices = @transform_1, window_bounds = array<i64: 768, 64>}, {transform_indices = @transform_2, window_bounds = array<i64: 1024, 1>}, {transform_indices = @transform_3, window_bounds = array<i64: 1024, 1>}, {transform_indices = @transform_4, window_bounds = array<i64: 1024, 1>}, {transform_indices = @transform_5, window_bounds = array<i64: 1024, 1>}, {pipeline_mode = #tpu.pipeline_mode<synchronous>, transform_indices = @transform_6, window_bounds = array<i64: 1, 64>}]} {
    %get3A = arith.constant 0 : index
    %get3A_0 = arith.constant 0 : index
    %get3A_1 = vector.load %arg1[%get3A, %get3A_0] : memref<1024x768xf32, #tpu.memory_space<vmem>>, vector<1024x768xf32>
    %get3A_2 = arith.constant 0 : index
    %get3A_3 = arith.constant 0 : index
    %get3A_4 = vector.load %arg2[%get3A_2, %get3A_3] : memref<768x64xf32, #tpu.memory_space<vmem>>, vector<768x64xf32>
    %dot_general3A = arith.constant dense<0.000000e+00> : vector<1024x64xf32>
    %dot_general3A_5 = tpu.matmul %get3A_1, %get3A_4, %dot_general3A {dimension_numbers = #tpu.dot_dimension_numbers<[1], [0], [0], [1], [0, 0, 1, 1], [], []>, transpose_lhs_hint = false} : vector<1024x768xf32>, vector<768x64xf32>, vector<1024x64xf32> -> vector<1024x64xf32>
    %iota3A = tpu.iota {dimensions = array<i32: 1>} : vector<1024x64xi32>
    %reduce_max3A = arith.constant dense<0xFF800000> : vector<1024xf32>
    %reduce_max3A_6 = vector.multi_reduction <maximumf>, %dot_general3A_5, %reduce_max3A [1] : vector<1024x64xf32> to vector<1024xf32>
    %broadcast_in_dim3A = vector.shape_cast %reduce_max3A_6 : vector<1024xf32> to vector<1024x1xf32>
    %eq3A = vector.broadcast %broadcast_in_dim3A : vector<1024x1xf32> to vector<1024x64xf32>
    %eq3A_7 = arith.cmpf oeq, %dot_general3A_5, %eq3A : vector<1024x64xf32>
    %jit3A = arith.constant 64 : i32
    %broadcast_in_dim3A_8 = vector.broadcast %jit3A : i32 to vector<1024x64xi32>
    %select_n3A = arith.select %eq3A_7, %iota3A, %broadcast_in_dim3A_8 : vector<1024x64xi1>, vector<1024x64xi32>
    %reduce_min3A = arith.constant dense<2147483647> : vector<1024xi32>
    %reduce_min3A_9 = vector.multi_reduction <minsi>, %select_n3A, %reduce_min3A [1] : vector<1024x64xi32> to vector<1024xi32>
    %broadcast_in_dim3A_10 = vector.shape_cast %reduce_min3A_9 : vector<1024xi32> to vector<1024x1xi32>
    %eq3A_11 = vector.broadcast %broadcast_in_dim3A_10 : vector<1024x1xi32> to vector<1024x64xi32>
    %eq3A_12 = arith.cmpi eq, %iota3A, %eq3A_11 : vector<1024x64xi32>
    %jit3A_13 = arith.constant 0xFF800000 : f32
    %broadcast_in_dim3A_14 = vector.broadcast %jit3A_13 : f32 to vector<1024x64xf32>
    %select_n3A_15 = arith.select %eq3A_12, %broadcast_in_dim3A_14, %dot_general3A_5 : vector<1024x64xi1>, vector<1024x64xf32>
    %reduce_max3A_16 = arith.constant dense<0xFF800000> : vector<1024xf32>
    %reduce_max3A_17 = vector.multi_reduction <maximumf>, %select_n3A_15, %reduce_max3A_16 [1] : vector<1024x64xf32> to vector<1024xf32>
    %broadcast_in_dim3A_18 = vector.shape_cast %reduce_max3A_17 : vector<1024xf32> to vector<1024x1xf32>
    %eq3A_19 = vector.broadcast %broadcast_in_dim3A_18 : vector<1024x1xf32> to vector<1024x64xf32>
    %eq3A_20 = arith.cmpf oeq, %select_n3A_15, %eq3A_19 : vector<1024x64xf32>
    %jit3A_21 = arith.constant 64 : i32
    %broadcast_in_dim3A_22 = vector.broadcast %jit3A_21 : i32 to vector<1024x64xi32>
    %select_n3A_23 = arith.select %eq3A_20, %iota3A, %broadcast_in_dim3A_22 : vector<1024x64xi1>, vector<1024x64xi32>
    %reduce_min3A_24 = arith.constant dense<2147483647> : vector<1024xi32>
    %reduce_min3A_25 = vector.multi_reduction <minsi>, %select_n3A_23, %reduce_min3A_24 [1] : vector<1024x64xi32> to vector<1024xi32>
    %broadcast_in_dim3A_26 = vector.shape_cast %reduce_min3A_25 : vector<1024xi32> to vector<1024x1xi32>
    %sub3A = arith.subf %broadcast_in_dim3A_18, %broadcast_in_dim3A : vector<1024x1xf32>
    %exp3A = math.exp %sub3A : vector<1024x1xf32>
    %add3A = arith.constant 1.000000e+00 : f32
    %add3A_27 = vector.broadcast %add3A : f32 to vector<1024x1xf32>
    %add3A_28 = arith.addf %add3A_27, %exp3A : vector<1024x1xf32>
    %swap3A = arith.constant 0 : index
    %swap3A_29 = arith.constant 0 : index
    %swap3A_30 = vector.load %arg3[%swap3A, %swap3A_29] : memref<1024x1xi32, #tpu.memory_space<vmem>>, vector<1024x1xi32>
    tpu.vector_store %arg3[%swap3A, %swap3A_29], %broadcast_in_dim3A_10 {strides = array<i32>} : memref<1024x1xi32, #tpu.memory_space<vmem>>, vector<1024x1xi32>,
    %swap3A_31 = arith.constant 0 : index
    %swap3A_32 = arith.constant 0 : index
    %swap3A_33 = vector.load %arg4[%swap3A_31, %swap3A_32] : memref<1024x1xi32, #tpu.memory_space<vmem>>, vector<1024x1xi32>
    tpu.vector_store %arg4[%swap3A_31, %swap3A_32], %broadcast_in_dim3A_26 {strides = array<i32>} : memref<1024x1xi32, #tpu.memory_space<vmem>>, vector<1024x1xi32>,
    %div3A = arith.constant 1.000000e+00 : f32
    %div3A_34 = vector.broadcast %div3A : f32 to vector<1024x1xf32>
    %div3A_35 = arith.divf %div3A_34, %add3A_28 : vector<1024x1xf32>
    %swap3A_36 = arith.constant 0 : index
    %swap3A_37 = arith.constant 0 : index
    %swap3A_38 = vector.load %arg5[%swap3A_36, %swap3A_37] : memref<1024x1xf32, #tpu.memory_space<vmem>>, vector<1024x1xf32>
    tpu.vector_store %arg5[%swap3A_36, %swap3A_37], %div3A_35 {strides = array<i32>} : memref<1024x1xf32, #tpu.memory_space<vmem>>, vector<1024x1xf32>,
    %div3A_39 = arith.divf %exp3A, %add3A_28 : vector<1024x1xf32>
    %swap3A_40 = arith.constant 0 : index
    %swap3A_41 = arith.constant 0 : index
    %swap3A_42 = vector.load %arg6[%swap3A_40, %swap3A_41] : memref<1024x1xf32, #tpu.memory_space<vmem>>, vector<1024x1xf32>
    tpu.vector_store %arg6[%swap3A_40, %swap3A_41], %div3A_39 {strides = array<i32>} : memref<1024x1xf32, #tpu.memory_space<vmem>>, vector<1024x1xf32>,
    %eq3A_43 = vector.broadcast %broadcast_in_dim3A_10 : vector<1024x1xi32> to vector<1024x64xi32>
    %eq3A_44 = arith.cmpi eq, %eq3A_43, %iota3A : vector<1024x64xi32>
    %convert_element_type3A = arith.extui %eq3A_44 : vector<1024x64xi1> to vector<1024x64xi32>
    %reduce_sum3A = arith.constant dense<0> : vector<64xi32>
    %reduce_sum3A_45 = vector.multi_reduction <add>, %convert_element_type3A, %reduce_sum3A [0] : vector<1024x64xi32> to vector<64xi32>
    %broadcast_in_dim3A_46 = vector.shape_cast %reduce_sum3A_45 : vector<64xi32> to vector<1x64xi32>
    %eq3A_47 = vector.broadcast %broadcast_in_dim3A_26 : vector<1024x1xi32> to vector<1024x64xi32>
    %eq3A_48 = arith.cmpi eq, %eq3A_47, %iota3A : vector<1024x64xi32>
    %convert_element_type3A_49 = arith.extui %eq3A_48 : vector<1024x64xi1> to vector<1024x64xi32>
    %reduce_sum3A_50 = arith.constant dense<0> : vector<64xi32>
    %reduce_sum3A_51 = vector.multi_reduction <add>, %convert_element_type3A_49, %reduce_sum3A_50 [0] : vector<1024x64xi32> to vector<64xi32>
    %broadcast_in_dim3A_52 = vector.shape_cast %reduce_sum3A_51 : vector<64xi32> to vector<1x64xi32>
    %add3A_53 = arith.addi %broadcast_in_dim3A_46, %broadcast_in_dim3A_52 : vector<1x64xi32>
    %eq3A_54 = arith.constant 0 : i32
    %eq3A_55 = arith.cmpi eq, %arg0, %eq3A_54 : i32
    %convert_element_type3A_56 = arith.extui %eq3A_55 : i1 to i32
    %cond3A = arith.constant 0 : i32
    %cond3A_57 = arith.cmpi ne, %convert_element_type3A_56, %cond3A : i32
    scf.if %cond3A_57 {
      %broadcast_in_dim3A_70 = arith.constant 0 : i32
      %broadcast_in_dim3A_71 = vector.broadcast %broadcast_in_dim3A_70 : i32 to vector<8x64xi32>
      %swap3A_72 = arith.constant 0 : index
      %swap3A_73 = arith.constant 0 : index
      %swap3A_74 = vector.load %arg8[%swap3A_72, %swap3A_73] : memref<8x64xi32, #tpu.memory_space<vmem>>, vector<8x64xi32>
      tpu.vector_store %arg8[%swap3A_72, %swap3A_73], %broadcast_in_dim3A_71 {strides = array<i32>} : memref<8x64xi32, #tpu.memory_space<vmem>>, vector<8x64xi32>,
    } else {
    }
    %get3A_58 = arith.constant 0 : index
    %get3A_59 = arith.constant 0 : index
    %get3A_60 = vector.load %arg8[%get3A_58, %get3A_59] : memref<8x64xi32, #tpu.memory_space<vmem>>, vector<1x64xi32>
    %add3A_61 = arith.addi %get3A_60, %add3A_53 : vector<1x64xi32>
    %swap3A_62 = arith.constant 0 : index
    %swap3A_63 = arith.constant 0 : index
    %swap3A_64 = vector.load %arg8[%swap3A_62, %swap3A_63] : memref<8x64xi32, #tpu.memory_space<vmem>>, vector<1x64xi32>
    tpu.vector_store %arg8[%swap3A_62, %swap3A_63], %add3A_61 {strides = array<i32>} : memref<8x64xi32, #tpu.memory_space<vmem>>, vector<1x64xi32>,
    %eq3A_65 = arith.constant 3 : i32
    %eq3A_66 = arith.cmpi eq, %arg0, %eq3A_65 : i32
    %convert_element_type3A_67 = arith.extui %eq3A_66 : i1 to i32
    %cond3A_68 = arith.constant 0 : i32
    %cond3A_69 = arith.cmpi ne, %convert_element_type3A_67, %cond3A_68 : i32
    scf.if %cond3A_69 {
      %get3A_70 = arith.constant 0 : index
      %get3A_71 = arith.constant 0 : index
      %get3A_72 = vector.load %arg8[%get3A_70, %get3A_71] : memref<8x64xi32, #tpu.memory_space<vmem>>, vector<1x64xi32>
      %swap3A_73 = arith.constant 0 : index
      %swap3A_74 = arith.constant 0 : index
      %swap3A_75 = vector.load %arg7[%swap3A_73, %swap3A_74] : memref<1x64xi32, #tpu.memory_space<vmem>>, vector<1x64xi32>
      tpu.vector_store %arg7[%swap3A_73, %swap3A_74], %get3A_72 {strides = array<i32>} : memref<1x64xi32, #tpu.memory_space<vmem>>, vector<1x64xi32>,
    } else {
    }
    return
  }
  func.func @transform_0(%arg0: i32) -> (i32, i32) {
    %c0_i32 = arith.constant 0 : i32
    %c0_i32_0 = arith.constant 0 : i32
    return %arg0, %c0_i32 : i32, i32
  }
  func.func @transform_1(%arg0: i32) -> (i32, i32) {
    %c0_i32 = arith.constant 0 : i32
    %c0_i32_0 = arith.constant 0 : i32
    %c0_i32_1 = arith.constant 0 : i32
    return %c0_i32, %c0_i32_0 : i32, i32
  }
  func.func @transform_2(%arg0: i32) -> (i32, i32) {
    %c0_i32 = arith.constant 0 : i32
    %c0_i32_0 = arith.constant 0 : i32
    return %arg0, %c0_i32 : i32, i32
  }
  func.func @transform_3(%arg0: i32) -> (i32, i32) {
    %c0_i32 = arith.constant 0 : i32
    %c0_i32_0 = arith.constant 0 : i32
    return %arg0, %c0_i32 : i32, i32
  }
  func.func @transform_4(%arg0: i32) -> (i32, i32) {
    %c0_i32 = arith.constant 0 : i32
    %c0_i32_0 = arith.constant 0 : i32
    return %arg0, %c0_i32 : i32, i32
  }
  func.func @transform_5(%arg0: i32) -> (i32, i32) {
    %c0_i32 = arith.constant 0 : i32
    %c0_i32_0 = arith.constant 0 : i32
    return %arg0, %c0_i32 : i32, i32
  }
  func.func @transform_6(%arg0: i32) -> (i32, i32) {
    %c0_i32 = arith.constant 0 : i32
    %c0_i32_0 = arith.constant 0 : i32
    %c0_i32_1 = arith.constant 0 : i32
    return %c0_i32, %c0_i32_0 : i32, i32
  }
}

module attributes {stable_mosaic.version = 14 : i64} {
  func.func @_routing_body(%arg0: i32, %arg1: memref<512x1xi32, #tpu.memory_space<vmem>>, %arg2: memref<512x1xi32, #tpu.memory_space<vmem>>, %arg3: memref<1x65xi32, #tpu.memory_space<vmem>>, %arg4: memref<512x1xi32, #tpu.memory_space<vmem>>, %arg5: memref<512x1xi32, #tpu.memory_space<vmem>>, %arg6: memref<112x1xi32, #tpu.memory_space<vmem>>, %arg7: memref<8x64xi32, #tpu.memory_space<vmem>>, %arg8: memref<1024x1024xf32, #tpu.memory_space<vmem>>) attributes {dimension_semantics = [#tpu.dimension_semantics<arbitrary>], iteration_bounds = array<i64: 8>, scalar_prefetch = 0 : i64, scratch_operands = 2 : i64, tpu.core_type = #tpu.core_type<tc>, window_params = [{transform_indices = @transform_0, window_bounds = array<i64: 512, 1>}, {transform_indices = @transform_1, window_bounds = array<i64: 512, 1>}, {pipeline_mode = #tpu.pipeline_mode<synchronous>, transform_indices = @transform_2, window_bounds = array<i64: 1, 65>}, {transform_indices = @transform_3, window_bounds = array<i64: 512, 1>}, {transform_indices = @transform_4, window_bounds = array<i64: 512, 1>}, {pipeline_mode = #tpu.pipeline_mode<synchronous>, transform_indices = @transform_5, window_bounds = array<i64: 112, 1>}]} {
    %get3A = arith.constant 0 : index
    %get3A_0 = arith.constant 0 : index
    %get3A_1 = vector.load %arg1[%get3A, %get3A_0] : memref<512x1xi32, #tpu.memory_space<vmem>>, vector<512x1xi32>
    %get3A_2 = arith.constant 0 : index
    %get3A_3 = arith.constant 0 : index
    %get3A_4 = vector.load %arg2[%get3A_2, %get3A_3] : memref<512x1xi32, #tpu.memory_space<vmem>>, vector<512x1xi32>
    %concatenate3A = tpu.concatenate %get3A_1, %get3A_4 in 0 : vector<512x1xi32>, vector<512x1xi32> -> vector<1024x1xi32>
    %iota3A = tpu.iota {dimensions = array<i32: 1>} : vector<1024x64xi32>
    %eq3A = vector.broadcast %concatenate3A : vector<1024x1xi32> to vector<1024x64xi32>
    %eq3A_5 = arith.cmpi eq, %eq3A, %iota3A : vector<1024x64xi32>
    %convert_element_type3A = arith.extui %eq3A_5 : vector<1024x64xi1> to vector<1024x64xi32>
    %convert_element_type3A_6 = arith.sitofp %convert_element_type3A : vector<1024x64xi32> to vector<1024x64xf32>
    %eq3A_7 = arith.constant 0 : i32
    %eq3A_8 = arith.cmpi eq, %arg0, %eq3A_7 : i32
    %convert_element_type3A_9 = arith.extui %eq3A_8 : i1 to i32
    %cond3A = arith.constant 0 : i32
    %cond3A_10 = arith.cmpi ne, %convert_element_type3A_9, %cond3A : i32
    scf.if %cond3A_10 {
      %broadcast_in_dim3A_55 = arith.constant 0 : i32
      %broadcast_in_dim3A_56 = vector.broadcast %broadcast_in_dim3A_55 : i32 to vector<8x64xi32>
      %swap3A_57 = arith.constant 0 : index
      %swap3A_58 = arith.constant 0 : index
      %swap3A_59 = vector.load %arg7[%swap3A_57, %swap3A_58] : memref<8x64xi32, #tpu.memory_space<vmem>>, vector<8x64xi32>
      tpu.vector_store %arg7[%swap3A_57, %swap3A_58], %broadcast_in_dim3A_56 {strides = array<i32>} : memref<8x64xi32, #tpu.memory_space<vmem>>, vector<8x64xi32>,
      %iota3A_60 = tpu.iota {dimensions = array<i32: 0>} : vector<1024x1024xi32>
      %iota3A_61 = tpu.iota {dimensions = array<i32: 1>} : vector<1024x1024xi32>
      %lt3A = arith.cmpi slt, %iota3A_61, %iota3A_60 : vector<1024x1024xi32>
      %convert_element_type3A_62 = arith.extui %lt3A : vector<1024x1024xi1> to vector<1024x1024xi32>
      %convert_element_type3A_63 = arith.sitofp %convert_element_type3A_62 : vector<1024x1024xi32> to vector<1024x1024xf32>
      %swap3A_64 = arith.constant 0 : index
      %swap3A_65 = arith.constant 0 : index
      %swap3A_66 = vector.load %arg8[%swap3A_64, %swap3A_65] : memref<1024x1024xf32, #tpu.memory_space<vmem>>, vector<1024x1024xf32>
      tpu.vector_store %arg8[%swap3A_64, %swap3A_65], %convert_element_type3A_63 {strides = array<i32>} : memref<1024x1024xf32, #tpu.memory_space<vmem>>, vector<1024x1024xf32>,
      %iota3A_67 = tpu.iota {dimensions = array<i32: 0>} : vector<112x64xi32>
      %mul3A_68 = arith.constant 192 : i32
      %mul3A_69 = vector.broadcast %mul3A_68 : i32 to vector<112x64xi32>
      %mul3A_70 = arith.muli %iota3A_67, %mul3A_69 : vector<112x64xi32>
      %get3A_71 = arith.constant 0 : index
      %get3A_72 = arith.constant 1 : index
      %get3A_73 = vector.load %arg3[%get3A_71, %get3A_72] : memref<1x65xi32, #tpu.memory_space<vmem>>, vector<1x64xi32>
      %ge3A = vector.broadcast %get3A_73 : vector<1x64xi32> to vector<112x64xi32>
      %ge3A_74 = arith.cmpi sge, %mul3A_70, %ge3A : vector<112x64xi32>
      %convert_element_type3A_75 = arith.extui %ge3A_74 : vector<112x64xi1> to vector<112x64xi32>
      %reduce_sum3A_76 = arith.constant dense<0> : vector<112xi32>
      %reduce_sum3A_77 = vector.multi_reduction <add>, %convert_element_type3A_75, %reduce_sum3A_76 [1] : vector<112x64xi32> to vector<112xi32>
      %broadcast_in_dim3A_78 = vector.shape_cast %reduce_sum3A_77 : vector<112xi32> to vector<112x1xi32>
      %min3A = arith.constant 63 : i32
      %min3A_79 = vector.broadcast %min3A : i32 to vector<112x1xi32>
      %min3A_80 = arith.minsi %broadcast_in_dim3A_78, %min3A_79 : vector<112x1xi32>
      %swap3A_81 = arith.constant 0 : index
      %swap3A_82 = arith.constant 0 : index
      %swap3A_83 = vector.load %arg6[%swap3A_81, %swap3A_82] : memref<112x1xi32, #tpu.memory_space<vmem>>, vector<112x1xi32>
      tpu.vector_store %arg6[%swap3A_81, %swap3A_82], %min3A_80 {strides = array<i32>} : memref<112x1xi32, #tpu.memory_space<vmem>>, vector<112x1xi32>,
    } else {
    }
    %get3A_11 = arith.constant 0 : index
    %get3A_12 = arith.constant 0 : index
    %get3A_13 = vector.load %arg8[%get3A_11, %get3A_12] : memref<1024x1024xf32, #tpu.memory_space<vmem>>, vector<1024x1024xf32>
    %dot_general3A = arith.constant dense<0.000000e+00> : vector<1024x64xf32>
    %dot_general3A_14 = tpu.matmul %get3A_13, %convert_element_type3A_6, %dot_general3A {dimension_numbers = #tpu.dot_dimension_numbers<[1], [0], [0], [1], [0, 0, 1, 1], [], []>, transpose_lhs_hint = false} : vector<1024x1024xf32>, vector<1024x64xf32>, vector<1024x64xf32> -> vector<1024x64xf32>
    %mul3A = arith.mulf %dot_general3A_14, %convert_element_type3A_6 : vector<1024x64xf32>
    %reduce_sum3A = arith.constant dense<0.000000e+00> : vector<1024xf32>
    %reduce_sum3A_15 = vector.multi_reduction <add>, %mul3A, %reduce_sum3A [1] : vector<1024x64xf32> to vector<1024xf32>
    %broadcast_in_dim3A = vector.shape_cast %reduce_sum3A_15 : vector<1024xf32> to vector<1024x1xf32>
    %convert_element_type3A_16 = arith.fptosi %broadcast_in_dim3A : vector<1024x1xf32> to vector<1024x1xi32>
    %get3A_17 = arith.constant 0 : index
    %get3A_18 = arith.constant 0 : index
    %get3A_19 = vector.load %arg3[%get3A_17, %get3A_18] : memref<1x65xi32, #tpu.memory_space<vmem>>, vector<1x64xi32>
    %jit3A = arith.constant 0 : i32
    %broadcast_in_dim3A_20 = vector.shape_cast %get3A_19 : vector<1x64xi32> to vector<1x64xi32>
    %broadcast_in_dim3A_21 = vector.broadcast %broadcast_in_dim3A_20 : vector<1x64xi32> to vector<1024x64xi32>
    %broadcast_in_dim3A_22 = vector.broadcast %jit3A : i32 to vector<1024x64xi32>
    %select_n3A = arith.select %eq3A_5, %broadcast_in_dim3A_21, %broadcast_in_dim3A_22 : vector<1024x64xi1>, vector<1024x64xi32>
    %reduce_sum3A_23 = arith.constant dense<0> : vector<1024xi32>
    %reduce_sum3A_24 = vector.multi_reduction <add>, %select_n3A, %reduce_sum3A_23 [1] : vector<1024x64xi32> to vector<1024xi32>
    %broadcast_in_dim3A_25 = vector.shape_cast %reduce_sum3A_24 : vector<1024xi32> to vector<1024x1xi32>
    %get3A_26 = arith.constant 0 : index
    %get3A_27 = arith.constant 0 : index
    %get3A_28 = vector.load %arg7[%get3A_26, %get3A_27] : memref<8x64xi32, #tpu.memory_space<vmem>>, vector<1x64xi32>
    %jit3A_29 = arith.constant 0 : i32
    %broadcast_in_dim3A_30 = vector.shape_cast %get3A_28 : vector<1x64xi32> to vector<1x64xi32>
    %broadcast_in_dim3A_31 = vector.broadcast %broadcast_in_dim3A_30 : vector<1x64xi32> to vector<1024x64xi32>
    %broadcast_in_dim3A_32 = vector.broadcast %jit3A_29 : i32 to vector<1024x64xi32>
    %select_n3A_33 = arith.select %eq3A_5, %broadcast_in_dim3A_31, %broadcast_in_dim3A_32 : vector<1024x64xi1>, vector<1024x64xi32>
    %reduce_sum3A_34 = arith.constant dense<0> : vector<1024xi32>
    %reduce_sum3A_35 = vector.multi_reduction <add>, %select_n3A_33, %reduce_sum3A_34 [1] : vector<1024x64xi32> to vector<1024xi32>
    %broadcast_in_dim3A_36 = vector.shape_cast %reduce_sum3A_35 : vector<1024xi32> to vector<1024x1xi32>
    %add3A = arith.addi %broadcast_in_dim3A_25, %broadcast_in_dim3A_36 : vector<1024x1xi32>
    %add3A_37 = arith.addi %add3A, %convert_element_type3A_16 : vector<1024x1xi32>
    %slice3A = vector.extract_strided_slice %add3A_37 {offsets = [0, 0], sizes = [512, 1], strides = [1, 1]} : vector<1024x1xi32> to vector<512x1xi32>
    %swap3A = arith.constant 0 : index
    %swap3A_38 = arith.constant 0 : index
    %swap3A_39 = vector.load %arg4[%swap3A, %swap3A_38] : memref<512x1xi32, #tpu.memory_space<vmem>>, vector<512x1xi32>
    tpu.vector_store %arg4[%swap3A, %swap3A_38], %slice3A {strides = array<i32>} : memref<512x1xi32, #tpu.memory_space<vmem>>, vector<512x1xi32>,
    %slice3A_40 = vector.extract_strided_slice %add3A_37 {offsets = [512, 0], sizes = [512, 1], strides = [1, 1]} : vector<1024x1xi32> to vector<512x1xi32>
    %swap3A_41 = arith.constant 0 : index
    %swap3A_42 = arith.constant 0 : index
    %swap3A_43 = vector.load %arg5[%swap3A_41, %swap3A_42] : memref<512x1xi32, #tpu.memory_space<vmem>>, vector<512x1xi32>
    tpu.vector_store %arg5[%swap3A_41, %swap3A_42], %slice3A_40 {strides = array<i32>} : memref<512x1xi32, #tpu.memory_space<vmem>>, vector<512x1xi32>,
    %get3A_44 = arith.constant 0 : index
    %get3A_45 = arith.constant 0 : index
    %get3A_46 = vector.load %arg7[%get3A_44, %get3A_45] : memref<8x64xi32, #tpu.memory_space<vmem>>, vector<1x64xi32>
    %convert_element_type3A_47 = arith.extui %eq3A_5 : vector<1024x64xi1> to vector<1024x64xi32>
    %reduce_sum3A_48 = arith.constant dense<0> : vector<64xi32>
    %reduce_sum3A_49 = vector.multi_reduction <add>, %convert_element_type3A_47, %reduce_sum3A_48 [0] : vector<1024x64xi32> to vector<64xi32>
    %broadcast_in_dim3A_50 = vector.shape_cast %reduce_sum3A_49 : vector<64xi32> to vector<1x64xi32>
    %add3A_51 = arith.addi %get3A_46, %broadcast_in_dim3A_50 : vector<1x64xi32>
    %swap3A_52 = arith.constant 0 : index
    %swap3A_53 = arith.constant 0 : index
    %swap3A_54 = vector.load %arg7[%swap3A_52, %swap3A_53] : memref<8x64xi32, #tpu.memory_space<vmem>>, vector<1x64xi32>
    tpu.vector_store %arg7[%swap3A_52, %swap3A_53], %add3A_51 {strides = array<i32>} : memref<8x64xi32, #tpu.memory_space<vmem>>, vector<1x64xi32>,
    return
  }
  func.func @transform_0(%arg0: i32) -> (i32, i32) {
    %c0_i32 = arith.constant 0 : i32
    %c0_i32_0 = arith.constant 0 : i32
    return %arg0, %c0_i32 : i32, i32
  }
  func.func @transform_1(%arg0: i32) -> (i32, i32) {
    %c0_i32 = arith.constant 0 : i32
    %c0_i32_0 = arith.constant 0 : i32
    return %arg0, %c0_i32 : i32, i32
  }
  func.func @transform_2(%arg0: i32) -> (i32, i32) {
    %c0_i32 = arith.constant 0 : i32
    %c0_i32_0 = arith.constant 0 : i32
    %c0_i32_1 = arith.constant 0 : i32
    return %c0_i32, %c0_i32_0 : i32, i32
  }
  func.func @transform_3(%arg0: i32) -> (i32, i32) {
    %c0_i32 = arith.constant 0 : i32
    %c0_i32_0 = arith.constant 0 : i32
    return %arg0, %c0_i32 : i32, i32
  }
  func.func @transform_4(%arg0: i32) -> (i32, i32) {
    %c0_i32 = arith.constant 0 : i32
    %c0_i32_0 = arith.constant 0 : i32
    return %arg0, %c0_i32 : i32, i32
  }
  func.func @transform_5(%arg0: i32) -> (i32, i32) {
    %c0_i32 = arith.constant 0 : i32
    %c0_i32_0 = arith.constant 0 : i32
    %c0_i32_1 = arith.constant 0 : i32
    return %c0_i32, %c0_i32_0 : i32, i32
  }
}

module attributes {stable_mosaic.version = 14 : i64} {
  func.func @_gmm_body(%arg0: i32, %arg1: memref<107xi32, #tpu.memory_space<smem>>, %arg2: memref<1xi32, #tpu.memory_space<smem>>, %arg3: memref<192x768xf32, #tpu.memory_space<vmem>>, %arg4: memref<1x768x768xf32, #tpu.memory_space<vmem>>, %arg5: memref<1x1x768xf32, #tpu.memory_space<vmem>>, %arg6: memref<1x768x768xf32, #tpu.memory_space<vmem>>, %arg7: memref<1x1x768xf32, #tpu.memory_space<vmem>>, %arg8: memref<192x768xf32, #tpu.memory_space<vmem>>) attributes {dimension_semantics = [#tpu.dimension_semantics<arbitrary>], iteration_bounds = array<i64: 107>, scalar_prefetch = 2 : i64, scratch_operands = 0 : i64, tpu.core_type = #tpu.core_type<tc>, window_params = [{transform_indices = @transform_0, window_bounds = array<i64: 192, 768>}, {transform_indices = @transform_1, window_bounds = array<i64: 1, 768, 768>}, {transform_indices = @transform_2, window_bounds = array<i64: 1, 1, 768>}, {transform_indices = @transform_3, window_bounds = array<i64: 1, 768, 768>}, {transform_indices = @transform_4, window_bounds = array<i64: 1, 1, 768>}, {transform_indices = @transform_5, window_bounds = array<i64: 192, 768>}]} {
    %get3A = arith.constant 0 : index
    %get3A_0 = memref.load %arg2[%get3A] : memref<1xi32, #tpu.memory_space<smem>>
    %lt3A = arith.cmpi slt, %arg0, %get3A_0 : i32
    %convert_element_type3A = arith.extui %lt3A : i1 to i32
    %cond3A = arith.constant 0 : i32
    %cond3A_1 = arith.cmpi ne, %convert_element_type3A, %cond3A : i32
    scf.if %cond3A_1 {
      %get3A_2 = arith.constant 0 : index
      %get3A_3 = arith.constant 0 : index
      %get3A_4 = vector.load %arg3[%get3A_2, %get3A_3] : memref<192x768xf32, #tpu.memory_space<vmem>>, vector<192x768xf32>
      %get3A_5 = arith.constant 0 : index
      %get3A_6 = arith.constant 0 : index
      %get3A_7 = arith.constant 0 : index
      %get3A_8 = vector.load %arg4[%get3A_5, %get3A_6, %get3A_7] : memref<1x768x768xf32, #tpu.memory_space<vmem>>, vector<1x768x768xf32>
      %get3A_9 = vector.shape_cast %get3A_8 : vector<1x768x768xf32> to vector<768x768xf32>
      %dot_general3A = arith.constant dense<0.000000e+00> : vector<192x768xf32>
      %dot_general3A_10 = tpu.matmul %get3A_4, %get3A_9, %dot_general3A {dimension_numbers = #tpu.dot_dimension_numbers<[1], [0], [0], [1], [0, 0, 1, 1], [], []>, transpose_lhs_hint = false} : vector<192x768xf32>, vector<768x768xf32>, vector<192x768xf32> -> vector<192x768xf32>
      %get3A_11 = arith.constant 0 : index
      %get3A_12 = arith.constant 0 : index
      %get3A_13 = arith.constant 0 : index
      %get3A_14 = vector.load %arg5[%get3A_11, %get3A_12, %get3A_13] : memref<1x1x768xf32, #tpu.memory_space<vmem>>, vector<1x1x768xf32>
      %get3A_15 = vector.shape_cast %get3A_14 : vector<1x1x768xf32> to vector<1x768xf32>
      %add3A = vector.broadcast %get3A_15 : vector<1x768xf32> to vector<192x768xf32>
      %add3A_16 = arith.addf %dot_general3A_10, %add3A : vector<192x768xf32>
      %max3A = arith.constant 0.000000e+00 : f32
      %max3A_17 = vector.broadcast %max3A : f32 to vector<192x768xf32>
      %max3A_18 = arith.maximumf %add3A_16, %max3A_17 : vector<192x768xf32>
      %get3A_19 = arith.constant 0 : index
      %get3A_20 = arith.constant 0 : index
      %get3A_21 = arith.constant 0 : index
      %get3A_22 = vector.load %arg6[%get3A_19, %get3A_20, %get3A_21] : memref<1x768x768xf32, #tpu.memory_space<vmem>>, vector<1x768x768xf32>
      %get3A_23 = vector.shape_cast %get3A_22 : vector<1x768x768xf32> to vector<768x768xf32>
      %dot_general3A_24 = arith.constant dense<0.000000e+00> : vector<192x768xf32>
      %dot_general3A_25 = tpu.matmul %max3A_18, %get3A_23, %dot_general3A_24 {dimension_numbers = #tpu.dot_dimension_numbers<[1], [0], [0], [1], [0, 0, 1, 1], [], []>, transpose_lhs_hint = false} : vector<192x768xf32>, vector<768x768xf32>, vector<192x768xf32> -> vector<192x768xf32>
      %get3A_26 = arith.constant 0 : index
      %get3A_27 = arith.constant 0 : index
      %get3A_28 = arith.constant 0 : index
      %get3A_29 = vector.load %arg7[%get3A_26, %get3A_27, %get3A_28] : memref<1x1x768xf32, #tpu.memory_space<vmem>>, vector<1x1x768xf32>
      %get3A_30 = vector.shape_cast %get3A_29 : vector<1x1x768xf32> to vector<1x768xf32>
      %add3A_31 = vector.broadcast %get3A_30 : vector<1x768xf32> to vector<192x768xf32>
      %add3A_32 = arith.addf %dot_general3A_25, %add3A_31 : vector<192x768xf32>
      %tanh3A = math.tanh %add3A_32 : vector<192x768xf32>
      %mul3A = arith.constant 1.000000e+01 : f32
      %mul3A_33 = vector.broadcast %mul3A : f32 to vector<192x768xf32>
      %mul3A_34 = arith.mulf %tanh3A, %mul3A_33 : vector<192x768xf32>
      %exp3A = math.exp %mul3A_34 : vector<192x768xf32>
      %swap3A = arith.constant 0 : index
      %swap3A_35 = arith.constant 0 : index
      %swap3A_36 = vector.load %arg8[%swap3A, %swap3A_35] : memref<192x768xf32, #tpu.memory_space<vmem>>, vector<192x768xf32>
      tpu.vector_store %arg8[%swap3A, %swap3A_35], %exp3A {strides = array<i32>} : memref<192x768xf32, #tpu.memory_space<vmem>>, vector<192x768xf32>,
    } else {
    }
    return
  }
  func.func @transform_0(%arg0: i32, %arg1: memref<107xi32, #tpu.memory_space<smem>>, %arg2: memref<1xi32, #tpu.memory_space<smem>>) -> (i32, i32) {
    %get3A = arith.constant 0 : index
    %get3A_0 = memref.load %arg2[%get3A] : memref<1xi32, #tpu.memory_space<smem>>
    %sub3A = arith.constant 1 : i32
    %sub3A_1 = arith.subi %get3A_0, %sub3A : i32
    %min3A = arith.minsi %arg0, %sub3A_1 : i32
    %c0_i32 = arith.constant 0 : i32
    %c0_i32_2 = arith.constant 0 : i32
    return %min3A, %c0_i32 : i32, i32
  }
  func.func @transform_1(%arg0: i32, %arg1: memref<107xi32, #tpu.memory_space<smem>>, %arg2: memref<1xi32, #tpu.memory_space<smem>>) -> (i32, i32, i32) {
    %get3A = arith.index_cast %arg0 : i32 to index
    %get3A_0 = memref.load %arg1[%get3A] : memref<107xi32, #tpu.memory_space<smem>>
    %c0_i32 = arith.constant 0 : i32
    %c0_i32_1 = arith.constant 0 : i32
    %c0_i32_2 = arith.constant 0 : i32
    return %get3A_0, %c0_i32, %c0_i32_1 : i32, i32, i32
  }
  func.func @transform_2(%arg0: i32, %arg1: memref<107xi32, #tpu.memory_space<smem>>, %arg2: memref<1xi32, #tpu.memory_space<smem>>) -> (i32, i32, i32) {
    %get3A = arith.index_cast %arg0 : i32 to index
    %get3A_0 = memref.load %arg1[%get3A] : memref<107xi32, #tpu.memory_space<smem>>
    %c0_i32 = arith.constant 0 : i32
    %c0_i32_1 = arith.constant 0 : i32
    %c0_i32_2 = arith.constant 0 : i32
    return %get3A_0, %c0_i32, %c0_i32_1 : i32, i32, i32
  }
  func.func @transform_3(%arg0: i32, %arg1: memref<107xi32, #tpu.memory_space<smem>>, %arg2: memref<1xi32, #tpu.memory_space<smem>>) -> (i32, i32, i32) {
    %get3A = arith.index_cast %arg0 : i32 to index
    %get3A_0 = memref.load %arg1[%get3A] : memref<107xi32, #tpu.memory_space<smem>>
    %c0_i32 = arith.constant 0 : i32
    %c0_i32_1 = arith.constant 0 : i32
    %c0_i32_2 = arith.constant 0 : i32
    return %get3A_0, %c0_i32, %c0_i32_1 : i32, i32, i32
  }
  func.func @transform_4(%arg0: i32, %arg1: memref<107xi32, #tpu.memory_space<smem>>, %arg2: memref<1xi32, #tpu.memory_space<smem>>) -> (i32, i32, i32) {
    %get3A = arith.index_cast %arg0 : i32 to index
    %get3A_0 = memref.load %arg1[%get3A] : memref<107xi32, #tpu.memory_space<smem>>
    %c0_i32 = arith.constant 0 : i32
    %c0_i32_1 = arith.constant 0 : i32
    %c0_i32_2 = arith.constant 0 : i32
    return %get3A_0, %c0_i32, %c0_i32_1 : i32, i32, i32
  }
  func.func @transform_5(%arg0: i32, %arg1: memref<107xi32, #tpu.memory_space<smem>>, %arg2: memref<1xi32, #tpu.memory_space<smem>>) -> (i32, i32) {
    %get3A = arith.constant 0 : index
    %get3A_0 = memref.load %arg2[%get3A] : memref<1xi32, #tpu.memory_space<smem>>
    %sub3A = arith.constant 1 : i32
    %sub3A_1 = arith.subi %get3A_0, %sub3A : i32
    %min3A = arith.minsi %arg0, %sub3A_1 : i32
    %c0_i32 = arith.constant 0 : i32
    %c0_i32_2 = arith.constant 0 : i32
    return %min3A, %c0_i32 : i32, i32
  }
}

module attributes {stable_mosaic.version = 14 : i64} {
  func.func @_combine_body(%arg0: i32, %arg1: memref<1024x768xf32, #tpu.memory_space<vmem>>, %arg2: memref<1024x768xf32, #tpu.memory_space<vmem>>, %arg3: memref<1024x1xf32, #tpu.memory_space<vmem>>, %arg4: memref<1024x1xf32, #tpu.memory_space<vmem>>, %arg5: memref<1024x768xf32, #tpu.memory_space<vmem>>) attributes {dimension_semantics = [#tpu.dimension_semantics<arbitrary>], iteration_bounds = array<i64: 4>, scalar_prefetch = 0 : i64, scratch_operands = 0 : i64, tpu.core_type = #tpu.core_type<tc>, window_params = [{transform_indices = @transform_0, window_bounds = array<i64: 1024, 768>}, {transform_indices = @transform_1, window_bounds = array<i64: 1024, 768>}, {transform_indices = @transform_2, window_bounds = array<i64: 1024, 1>}, {transform_indices = @transform_3, window_bounds = array<i64: 1024, 1>}, {transform_indices = @transform_4, window_bounds = array<i64: 1024, 768>}]} {
    %get3A = arith.constant 0 : index
    %get3A_0 = arith.constant 0 : index
    %get3A_1 = vector.load %arg3[%get3A, %get3A_0] : memref<1024x1xf32, #tpu.memory_space<vmem>>, vector<1024x1xf32>
    %get3A_2 = arith.constant 0 : index
    %get3A_3 = arith.constant 0 : index
    %get3A_4 = vector.load %arg1[%get3A_2, %get3A_3] : memref<1024x768xf32, #tpu.memory_space<vmem>>, vector<1024x768xf32>
    %mul3A = vector.broadcast %get3A_1 : vector<1024x1xf32> to vector<1024x768xf32>
    %mul3A_5 = arith.mulf %mul3A, %get3A_4 : vector<1024x768xf32>
    %get3A_6 = arith.constant 0 : index
    %get3A_7 = arith.constant 0 : index
    %get3A_8 = vector.load %arg4[%get3A_6, %get3A_7] : memref<1024x1xf32, #tpu.memory_space<vmem>>, vector<1024x1xf32>
    %get3A_9 = arith.constant 0 : index
    %get3A_10 = arith.constant 0 : index
    %get3A_11 = vector.load %arg2[%get3A_9, %get3A_10] : memref<1024x768xf32, #tpu.memory_space<vmem>>, vector<1024x768xf32>
    %mul3A_12 = vector.broadcast %get3A_8 : vector<1024x1xf32> to vector<1024x768xf32>
    %mul3A_13 = arith.mulf %mul3A_12, %get3A_11 : vector<1024x768xf32>
    %add3A = arith.addf %mul3A_5, %mul3A_13 : vector<1024x768xf32>
    %eq3A = arith.constant 0.000000e+00 : f32
    %eq3A_14 = vector.broadcast %eq3A : f32 to vector<1024x768xf32>
    %eq3A_15 = arith.cmpf oeq, %add3A, %eq3A_14 : vector<1024x768xf32>
    %jit3A = arith.constant 2.22044605E-16 : f32
    %broadcast_in_dim3A = vector.broadcast %jit3A : f32 to vector<1024x768xf32>
    %select_n3A = arith.select %eq3A_15, %broadcast_in_dim3A, %add3A : vector<1024x768xi1>, vector<1024x768xf32>
    %log3A = math.log %select_n3A : vector<1024x768xf32>
    %swap3A = arith.constant 0 : index
    %swap3A_16 = arith.constant 0 : index
    %swap3A_17 = vector.load %arg5[%swap3A, %swap3A_16] : memref<1024x768xf32, #tpu.memory_space<vmem>>, vector<1024x768xf32>
    tpu.vector_store %arg5[%swap3A, %swap3A_16], %log3A {strides = array<i32>} : memref<1024x768xf32, #tpu.memory_space<vmem>>, vector<1024x768xf32>,
    return
  }
  func.func @transform_0(%arg0: i32) -> (i32, i32) {
    %c0_i32 = arith.constant 0 : i32
    %c0_i32_0 = arith.constant 0 : i32
    return %arg0, %c0_i32 : i32, i32
  }
  func.func @transform_1(%arg0: i32) -> (i32, i32) {
    %add3A = arith.constant 4 : i32
    %add3A_0 = arith.addi %arg0, %add3A : i32
    %c0_i32 = arith.constant 0 : i32
    %c0_i32_1 = arith.constant 0 : i32
    return %add3A_0, %c0_i32 : i32, i32
  }
  func.func @transform_2(%arg0: i32) -> (i32, i32) {
    %c0_i32 = arith.constant 0 : i32
    %c0_i32_0 = arith.constant 0 : i32
    return %arg0, %c0_i32 : i32, i32
  }
  func.func @transform_3(%arg0: i32) -> (i32, i32) {
    %c0_i32 = arith.constant 0 : i32
    %c0_i32_0 = arith.constant 0 : i32
    return %arg0, %c0_i32 : i32, i32
  }
  func.func @transform_4(%arg0: i32) -> (i32, i32) {
    %c0_i32 = arith.constant 0 : i32
    %c0_i32_0 = arith.constant 0 : i32
    return %arg0, %c0_i32 : i32, i32
  }
}

</mosaic_0001>

<sc_bundles>
// kernel: kernel.11.cloned.1.call-start
scs
__scs_entry_jumppad:
0x0: {  	(pc) =	sbr.rel $0x88, $3  }
0x1: {  	(tag) =	ssettag $0x0;
	lr =	simm.s32 $0x1  }
0x2: {  	[smem:$0x3F9B] =	sst lr;
	_ =	strace $0xD0000000  }
0x3: {  	_ = 	snop  }
0x4: {  	_ = 	snop  }
0x5: {  	_ = 	snop  }
0x6: {  	_ = 	snop  }
0x7: {  	_ = 	snop  }
__scs_overlays_trampoline_lowered:
0x8: {  	[smem:$0x3FAA] =	sst s0  }
0x9: {  	[smem:$0x3FAB] =	sst s1  }
0xa: {  	[smem:$0x3FAC] =	sst s2  }
0xb: {  	[smem:$0x3FAD] =	sst s3  }
0xc: {  	[smem:$0x3FAE] =	sst s4  }
0xd: {  	[smem:$0x3FAF] =	sst s5  }
0xe: {  	[smem:$0x3FB0] =	sst s6  }
0xf: {  	[smem:$0x3FB1] =	sst s7  }
0x10: {  	[smem:$0x3FB2] =	sst s8  }
0x11: {  	[smem:$0x3FB3] =	sst s9;
	s0 =	simm.s32 @!p0 $0x0  }
0x12: {  	s1 =	sld [smem:$0x3F99];
	s0 =	simm.s32 @p0 $0x1  }
0x13: {  	[smem:$0x3FB4] =	sst s0;
	s0 =	simm.s32 @!p1 $0x0  }
0x14: {  	s2 =	sld [smem:$0x3F98];
	s0 =	simm.s32 @p1 $0x1  }
0x15: {  	[smem:$0x3FB5] =	sst s0;
	s0 =	simm.s32 @!p2 $0x0  }
0x16: {  	s3 =	sld [smem:$0x3FDB];
	s0 =	simm.s32 @p2 $0x1  }
0x17: {  	s4 =	simm.s32 $0x1BF5;
	[smem:$0x3FB7] =	sst s0  }
0x18: {  	s0 =	sld [smem:$0x3F9A];
	_ =	swait.ge [sflag:s4], $0x0  }
0x19: {  	s7 =	sld [smem:$0x3F9B]  }
0x1a: {  	s8 =	sadd.s32 $0xFFFFE003, lr  }
0x1b: {  	s9 =	sadd.s32 $0xFFFFFEF7, lr;
	s5 =	simm.s32 $0xFFFFFFFF;
	p2 =	slt.u32 s8, $0xFFFFF086  }
0x1c: {  	p1 =	slt.u32 s9, $0xF7A;
	s5 =	simm.s32 @!p2 $0x0  }
0x1d: {  	s5 =	simm.s32 @p1 $0x1;
	p0 =	seq.s32 s7, s2  }
0x1e: {  	s7 =	smul.u32 @!p0 $0xF7A, s2;
	p2 =	seq.s32 @!p0 s5, $0x0  }
0x1f: {  	s9 =	smul.u32 $0xF7A, s1;
	s8 =	simm.s32 @!p0 $0x1BF5;
	p2 =	por !p2, p0  }
0x20: {  	[sflag:s8] =	ssyncset.s32 @!p0 $0xFFFFF086;
	s6 =	sadd.s32 @!p0 s3, s7;
	s7 =	simm.s32 @!p0 $0x108  }
0x21: {  	s3 =	sadd.s32 s3, s9;
	s6 =	sadd.s32 @!p0 $0x88, s6;
	s7 =	simm.s32 @p2 $0x1082  }
0x22: {  	[simem:s7], [sflag:s8] =	dma.local @!p0 [hbm:s6], $0xF7A  }
0x23: {  	s9 =	sor.u32 $0xD0000000, s2;
	s6 =	simm.s32 $0x108;
	_ =	swait.ge @!p0 [sflag:s8], $0x0  }
0x24: {  	s3 =	sadd.s32 $0x88, s3;
	s6 =	simm.s32 @!p1 $0x1082;
	[sflag:s4] =	ssyncset.s32 $0xFFFFF086  }
0x25: {  	[simem:s6], [sflag:s4] =	dma.local [hbm:s3], $0xF7A  }
0x26: {  	[smem:$0x3F9B] =	sst s1;
	(tag) =	ssettag s2;
	_ =	strace s9  }
0x27: {  	s1 =	sld [smem:$0x3FAB]  }
0x28: {  	s2 =	sld [smem:$0x3FAC]  }
0x29: {  	s4 =	sld [smem:$0x3FAE]  }
0x2a: {  	p0 =	seq.s32 s5, $0x0;
	s5 =	sld [smem:$0x3FAF]  }
0x2b: {  	s6 =	sld [smem:$0x3FB0]  }
0x2c: {  	s7 =	sld [smem:$0x3FB1]  }
0x2d: {  	s3 =	simm.s32 $0x108;
	s8 =	sld [smem:$0x3FB2]  }
0x2e: {  	s3 =	simm.s32 @!p0 $0x1082;
	s9 =	sld [smem:$0x3FB3]  }
0x2f: {  	lr =	sadd.s32 s0, s3;
	s0 =	sld [smem:$0x3FAA]  }
0x30: {  	s3 =	sld [smem:$0x3FAD]  }
0x31: {  	[smem:$0x3FB6] =	sst s10  }
0x32: {  	s10 =	sld [smem:$0x3FB4];
	_ =	sdelay $0x3  }
0x33: {  	p0 =	seq.s32 s10, $0x1;
	s10 =	sld [smem:$0x3FB6];
	_ =	sdelay $0x3  }
0x34: {  	[smem:$0x3FB6] =	sst s10  }
0x35: {  	s10 =	sld [smem:$0x3FB5];
	_ =	sdelay $0x3  }
0x36: {  	p1 =	seq.s32 s10, $0x1;
	s10 =	sld [smem:$0x3FB6];
	_ =	sdelay $0x3  }
0x37: {  	[smem:$0x3FB6] =	sst s10  }
0x38: {  	s10 =	sld [smem:$0x3FB7]  }
0x39: {  	_ = 	snop;
	(pc) =	sbr.ind lr, $3  }
0x3a: {  	_ = 	snop  }
0x3b: {  	_ = 	snop  }
0x3c: {  	p2 =	seq.s32 s10, $0x1;
	s10 =	sld [smem:$0x3FB6]  }
0x3d: {  	_ =	shalt  }
0x3e: {  	_ =	shalt  }
0x3f: {  	_ =	shalt  }
0x40: {  	_ =	shalt  }
0x41: {  	_ =	shalt  }
0x42: {  	_ =	shalt  }
0x43: {  	_ =	shalt  }
0x44: {  	_ =	shalt  }
0x45: {  	_ =	shalt  }
0x46: {  	_ =	shalt  }
0x47: {  	_ =	shalt  }
0x48: {  	_ =	shalt  }
0x49: {  	_ =	shalt  }
0x4a: {  	_ =	shalt  }
0x4b: {  	_ =	shalt  }
0x4c: {  	_ =	shalt  }
0x4d: {  	_ =	shalt  }
0x4e: {  	_ =	shalt  }
0x4f: {  	_ =	shalt  }
0x50: {  	_ =	shalt  }
0x51: {  	_ =	shalt  }
0x52: {  	_ =	shalt  }
0x53: {  	_ =	shalt  }
0x54: {  	_ =	shalt  }
0x55: {  	_ =	shalt  }
0x56: {  	_ =	shalt  }
0x57: {  	_ =	shalt  }
0x58: {  	_ =	shalt  }
0x59: {  	_ =	shalt  }
0x5a: {  	_ =	shalt  }
0x5b: {  	_ =	shalt  }
0x5c: {  	_ =	shalt  }
0x5d: {  	_ =	shalt  }
0x5e: {  	_ =	shalt  }
0x5f: {  	_ =	shalt  }
0x60: {  	_ =	shalt  }
0x61: {  	_ =	shalt  }
0x62: {  	_ =	shalt  }
0x63: {  	_ =	shalt  }
0x64: {  	_ =	shalt  }
0x65: {  	_ =	shalt  }
0x66: {  	_ =	shalt  }
0x67: {  	_ =	shalt  }
0x68: {  	_ =	shalt  }
0x69: {  	_ =	shalt  }
0x6a: {  	_ =	shalt  }
0x6b: {  	_ =	shalt  }
0x6c: {  	_ =	shalt  }
0x6d: {  	_ =	shalt  }
0x6e: {  	_ =	shalt  }
0x6f: {  	_ =	shalt  }
0x70: {  	_ =	shalt  }
0x71: {  	_ =	shalt  }
0x72: {  	_ =	shalt  }
0x73: {  	_ =	shalt  }
0x74: {  	_ =	shalt  }
0x75: {  	_ =	shalt  }
0x76: {  	_ =	shalt  }
0x77: {  	_ =	shalt  }
0x78: {  	_ =	shalt  }
0x79: {  	_ =	shalt  }
0x7a: {  	_ =	shalt  }
0x7b: {  	_ =	shalt  }
0x7c: {  	_ =	shalt  }
0x7d: {  	_ =	shalt  }
0x7e: {  	_ =	shalt  }
0x7f: {  	_ =	shalt  }
0x80: {  	_ =	shalt  }
0x81: {  	_ =	shalt  }
0x82: {  	_ =	shalt  }
0x83: {  	_ =	shalt  }
0x84: {  	_ =	shalt  }
0x85: {  	_ =	shalt  }
0x86: {  	_ =	shalt  }
0x87: {  	_ =	shalt  }
.Lfunc_end0:
.L_simem_size_0:
called_computation.1_lowered:
.L_overlay_start_0:
0x88: {  	s2 =	sld [smem:$0x3FD9]  }
0x89: {  	s3 =	sld [smem:$0x3FFE];
	_ =	sdelay $0x1  }
0x8a: {  	s1 =	srdreg.scid  }
0x8b: {  	s0 =	sand.u32 $0x1, s1  }
0x8c: {  	s16 =	sshll.u32 s0, $0xA;
	s2 =	sadd.s32 s3, s2  }
0x8d: {  	s2 =	sadd.s32 s2, s16  }
0x8e: {  	[smem:$0x3FC2] =	sst s2  }
0x8f: {  	_ = 	snop  }
0x90: {  	(tm) =	ssettm $0x1  }
0x91: {  	s17 =	sld [smem:$0x3FFB];
	_ =	sdelay $0x3  }
0x92: {  	_ =	strace s17  }
0x93: {  	s2 =	sld [smem:$0x3FFC];
	_ =	sdelay $0x3  }
0x94: {  	_ =	strace s2  }
0x95: {  	s2 =	sld [smem:$0x3FFD];
	_ =	sdelay $0x3  }
0x96: {  	_ =	strace s2  }
0x97: {  	_ =	strace $0x8FFFFFFF  }
0x98: {  	s18 =	sld [smem:$0x3FDB];
	_ =	sdelay $0x1  }
0x99: {  	s19 =	simm.s32 $_scs_section_size  }
0x9a: {  	s4 =	simm.s32 $_size__tile_overlayer_lowered;
	s5 =	simm.s32 $_tile_overlayer_lowered  }
0x9b: {  	s22 =	simm.s32 $0x1BFF;
	s21 =	sshll.u32 s5, $0x1;
	s2 =	sadd.s32 s19, s18  }
0x9c: {  	s6 =	simm.s32 $0x0;
	s20 =	sshll.u32 s4, $0x1;
	s4 =	sadd.s32 s21, s2  }
0x9d: {  	[timem:s6], [sflag:s22] =	dma.local [hbm:s4], s20  }
0x9e: {  	_ =	swait.ge [sflag:s22], s20  }
0x9f: {  	s3 =	ssub.s32 $0x0, s20;
	[sflag:s22] =	ssyncset.done $0x0  }
0xa0: {  	[sflag:s22] =	ssyncadd.s32 s3;
	_ =	sdelay $0x1  }
0xa1: {  	s23 =	simm.s32 $0x1B8B  }
0xa2: {  	_ =	swait.ge [sflag:s23], $0x1  }
0xa3: {  	[sflag:s23] =	ssyncset.done $0x0  }
0xa4: {  	s25 =	simm.s32 $0x1B8E;
	s24 =	sld [smem:$0x3FFE];
	[sflag:s23] =	ssyncadd.s32 $0xFFFFFFFF  }
0xa5: {  	s26 =	simm.s32 $execute0_lowered;
	[smem:$0x3FD2] =	sst s25  }
0xa6: {  	s4 =	sshll.u32 s26, $0x1;
	_ =	strace $0x80000049;
	[dreg:$0x1] =	wrdreg $0xFFFFFFFF  }
0xa7: {  	s28 =	simm.s32 $_size_execute0_lowered;
	s2 =	sadd.s32 s2, s4;
	[dreg:$0x0] =	wrdreg $0x0  }
0xa8: {  	s4 =	sshll.u32 s28, $0x1;
	[dreg:$0x2] =	wrdreg s2  }
0xa9: {  	[dreg:$0x3] =	wrdreg s4  }
0xaa: {  	[dreg:$0x4] =	wrdreg $0xC0  }
0xab: {  	_ =	task [dreg:s6], $0x5FFFF  }
0xac: {  	[dreg:$0x1] =	wrdreg $0xFFFFFFFF  }
0xad: {  	[dreg:$0x0] =	wrdreg $0x60  }
0xae: {  	[dreg:$0x2] =	wrdreg s24  }
0xaf: {  	[dreg:$0x3] =	wrdreg $0x9  }
0xb0: {  	_ =	task.clear_ibuf [dreg:s6], $0x4FFFF;
	_ =	strace $0x90000049  }
0xb1: {  	s29 =	simm.s32 $0x9;
	_ =	strace $0x8000004B  }
0xb2: {  	_ =	swait.ge [sflag:s29], $0x1  }
0xb3: {  	[sflag:s29] =	ssyncadd.s32 $0xFFFFFFFF  }
0xb4: {  	_ =	strace $0x9000004B  }
0xb5: {  	_ =	sfence  }
0xb6: {  	s30 =	sld [smem:$0x0];
	_ =	sdelay $0x2  }
0xb7: {  	s31 =	sshll.u32 s1, $0xD;
	s1 =	sshrl.u32 s1, $0x2  }
0xb8: {  	s3 =	sand.u32 $0x4000, s31;
	s1 =	sadd.s32 s1, s30  }
0xb9: {  	s0 =	sor.u32 s3, s0;
	s1 =	sshll.u32 s1, $0x11  }
0xba: {  	s0 =	sor.u32 s1, s0  }
0xbb: {  	s0 =	sadd.s32 $0x8F2B, s0  }
0xbc: {  	[sflag:s0] =	ssyncadd.remote.s32 $0x1  }
0xbd: {  	_ =	sfence.sel $0xFFFF  }
0xbe: {  	[dreg:$0x0] =	wrdreg $0xFFFFFFFF;
	(pc) =	sbr.abs _section_cstart, $3  }
0xbf: {  	[dreg:$0x1] =	wrdreg $0xFFFFFFFF  }
0xc0: {  	_ =	task.clear_ibuf [dreg:s6], $0x2FFFF;
	_ =	strace $0x9FFFFFFF  }
0xc1: {  	(tm) =	ssettm $0x7FFFFFFF  }
tec
execute0_lowered:
.L_overlay_start_1:
0x0: {  	(tag) =	ssettag $0x1  }
0x1: {  	s0 =	rddreg [dreg:$0x0]  }
0x2: {  	s1 =	simm.s32 $0x0;
	s2 =	srdreg.scid;
	s7 =	stileid.u32  }
0x3: {  	s26 =	simm.s32 $0x80;
	s11 =	simm.s32 $0x1100;
	s12 =	simm.s32 $0x1900  }
0x4: {  	s13 =	simm.s32 $0x2100;
	s14 =	simm.s32 $0x2900;
	s15 =	simm.s32 $0x3100  }
0x5: {  	s16 =	simm.s32 $0x3900;
	s17 =	simm.s32 $0x4100;
	s18 =	simm.s32 $0x4900  }
0x6: {  	s19 =	simm.s32 $0x5100;
	s20 =	simm.s32 $0x5900;
	s21 =	simm.s32 $0x6100  }
0x7: {  	s22 =	simm.s32 $0x6900;
	s23 =	simm.s32 $0x7100;
	s28 =	simm.s32 $0x9100  }
0x8: {  	s29 =	simm.s32 $0x9900;
	s30 =	simm.s32 $0xA100;
	s31 =	simm.s32 $0xA900  }
0x9: {  	[smem:$0x7FF] =	sst s1;
	s3 =	sadd.s32 $0x1F2800, s0;
	s2 =	sand.u32 $0x1, s2  }
0xa: {  	s4 =	sadd.s32 $0x1F2400, s0;
	s7 =	sshll.u32 s7, $0x6;
	s8 =	sadd.s32 $0x10200, s0  }
0xb: {  	_ =	strace $0x8000004A;
	s5 =	ssub.s32 $0x2, s2;
	s2 =	sshll.u32 s2, $0x5  }
0xc: {  	[dreg:$0x6] =	wrdreg s26;
	s6 =	sshrl.u32 s5, $0x1;
	s2 =	sor.u32 s2, s7  }
0xd: {  	s26 =	simm.s32 $0x8900;
	s6 =	ssub.s32 s5, s6;
	s24 =	sadd.s32 s4, s2  }
0xe: {  	s7 =	sor.u32 $0x10, s2;
	s2 =	smul.u32 $0x300, s2;
	s5 =	sadd.s32 $0x1F2A00, s0  }
0xf: {  	[dreg:$0x2] =	wrdreg s24;
	s4 =	sadd.s32 s4, s7;
	s7 =	smul.u32 $0x300, s7  }
0x10: {  	s6 =	smax.u32 s6, $0x1;
	[dreg:$0x3] =	wrdreg s4;
	s2 =	sadd.s32 s8, s2  }
0x11: {  	v2 =	vlaneseq.u32;
	s24 =	simm.s32 $0x7900;
	s4 =	sadd.s32 $0x1F2900, s0;
	[dreg:$0x4] =	wrdreg s2  }
0x12: {  	vm0 =	vmmov $0xffff;
	v1 =	vshrl.u32 v2, $0x3;
	s25 =	sadd.s32 s8, s7;
	s7 =	simm.s32 $0x2;
	s2 =	simm.s32 $0x1  }
0x13: {  	v0 =	vand.u32 $0x7, v2;
	v2 =	vor.u32 $0x8, v2;
	v1 =	vmul.u32 $0x8, v1;
	s8 =	simm.s32 $0xB900;
	[dreg:$0x5] =	wrdreg s25;
	s25 =	simm.s32 $0x8100  }
.LBB2_1:
0x14: {  	s9 =	rddreg [dreg:$0x2]  }
0x15: {  	[tilespmem:s1], [sflag:$0x2] =	stream.linear.gather [hbm4b:s9+s1], $0x80, $0x38;
	[tilespmem:$0x18100] =	vst v63  }
0x16: {  	_ =	swait.ge [sflag:s7], $0x80  }
0x17: {  	s0 =	rddreg [dreg:$0x3];
	[sflag:s7] =	ssyncset.done $0x0  }
0x18: {  	s10 =	rddreg [dreg:$0x6];
	[sflag:s7] =	ssyncadd.s32 $0xFFFFFF80  }
0x19: {  	[tilespmem:s10], [sflag:$0x2] =	stream.linear.gather [hbm4b:s0+s1], $0x80, $0x38;
	[tilespmem:$0x18100] =	vst v63  }
0x1a: {  	_ =	swait.ge [sflag:s7], $0x80  }
0x1b: {  	[sflag:s7] =	ssyncset.done $0x0  }
0x1c: {  	[sflag:s7] =	ssyncadd.s32 $0xFFFFFF80  }
0x1d: {  	v3 =	vld [tilespmem:$0x0];
	_ =	sdelay $0x4  }
0x1e: {  	v4 =	vshrl.u32 v3, $0x3  }
0x1f: {  	v4 =	vmul.u32 $0x30, v4  }
0x20: {  	v3 =	vand.u32 $0x7, v3  }
0x21: {  	v3 =	vor.u32 v3, v4  }
0x22: {  	v4 =	vperm.xlane v3, v0;
	_ =	sdelay $0x1  }
0x23: {  	v4 =	vadd.s32 v1, v4;
	_ =	sdelay $0x3  }
0x24: {  	s0 =	simm.s32 $0x100;
	v3 =	vperm.xlane v3, v2  }
0x25: {  	[tilespmem:s0], [sflag:$0x1] =	stream.indirect_vreg.gather [hbm4b:s3+s1], $0x80, v4, vm0, $0xb8;
	[tilespmem:$0x18100] =	vst v63  }
0x26: {  	s10 =	simm.s32 $0x900;
	v3 =	vadd.s32 v1, v3  }
0x27: {  	[tilespmem:s10], [sflag:$0x1] =	stream.indirect_vreg.gather [hbm4b:s4+s1], $0x80, v4, vm0, $0xb8;
	[tilespmem:$0x18100] =	vst v63  }
0x28: {  	_ = 	snop  }
0x29: {  	[tilespmem:s11], [sflag:$0x1] =	stream.indirect_vreg.gather [hbm4b:s5+s1], $0x80, v4, vm0, $0xb8;
	[tilespmem:$0x18100] =	vst v63  }
0x2a: {  	_ = 	snop  }
0x2b: {  	[tilespmem:s12], [sflag:$0x1] =	stream.indirect_vreg.gather [hbm4b:s3+s1], $0x80, v3, vm0, $0xb8;
	[tilespmem:$0x18100] =	vst v63  }
0x2c: {  	_ = 	snop  }
0x2d: {  	[tilespmem:s13], [sflag:$0x1] =	stream.indirect_vreg.gather [hbm4b:s4+s1], $0x80, v3, vm0, $0xb8;
	[tilespmem:$0x18100] =	vst v63  }
0x2e: {  	_ = 	snop  }
0x2f: {  	[tilespmem:s14], [sflag:$0x1] =	stream.indirect_vreg.gather [hbm4b:s5+s1], $0x80, v3, vm0, $0xb8;
	[tilespmem:$0x18100] =	vst v63  }
0x30: {  	v3 =	vld [tilespmem:$0x10];
	_ =	sdelay $0x4  }
0x31: {  	v49 =	vshrl.u32 v3, $0x3  }
0x32: {  	v4 =	vmul.u32 $0x30, v49  }
0x33: {  	v3 =	vand.u32 $0x7, v3  }
0x34: {  	v3 =	vor.u32 v3, v4  }
0x35: {  	v4 =	vperm.xlane v3, v0;
	_ =	sdelay $0x1  }
0x36: {  	v4 =	vadd.s32 v1, v4;
	_ =	sdelay $0x3  }
0x37: {  	v3 =	vperm.xlane v3, v2  }
0x38: {  	[tilespmem:s15], [sflag:$0x1] =	stream.indirect_vreg.gather [hbm4b:s3+s1], $0x80, v4, vm0, $0xb8;
	[tilespmem:$0x18100] =	vst v63  }
0x39: {  	v3 =	vadd.s32 v1, v3  }
0x3a: {  	[tilespmem:s16], [sflag:$0x1] =	stream.indirect_vreg.gather [hbm4b:s4+s1], $0x80, v4, vm0, $0xb8;
	[tilespmem:$0x18100] =	vst v63  }
0x3b: {  	_ = 	snop  }
0x3c: {  	[tilespmem:s17], [sflag:$0x1] =	stream.indirect_vreg.gather [hbm4b:s5+s1], $0x80, v4, vm0, $0xb8;
	[tilespmem:$0x18100] =	vst v63  }
0x3d: {  	_ = 	snop  }
0x3e: {  	[tilespmem:s18], [sflag:$0x1] =	stream.indirect_vreg.gather [hbm4b:s3+s1], $0x80, v3, vm0, $0xb8;
	[tilespmem:$0x18100] =	vst v63  }
0x3f: {  	_ = 	snop  }
0x40: {  	[tilespmem:s19], [sflag:$0x1] =	stream.indirect_vreg.gather [hbm4b:s4+s1], $0x80, v3, vm0, $0xb8;
	[tilespmem:$0x18100] =	vst v63  }
0x41: {  	_ = 	snop  }
0x42: {  	[tilespmem:s20], [sflag:$0x1] =	stream.indirect_vreg.gather [hbm4b:s5+s1], $0x80, v3, vm0, $0xb8;
	[tilespmem:$0x18100] =	vst v63  }
0x43: {  	v3 =	vld [tilespmem:$0x20];
	_ =	sdelay $0x4  }
0x44: {  	v50 =	vshrl.u32 v3, $0x3  }
0x45: {  	v4 =	vmul.u32 $0x30, v50  }
0x46: {  	v3 =	vand.u32 $0x7, v3  }
0x47: {  	v3 =	vor.u32 v3, v4  }
0x48: {  	v4 =	vperm.xlane v3, v0;
	_ =	sdelay $0x1  }
0x49: {  	v4 =	vadd.s32 v1, v4;
	_ =	sdelay $0x3  }
0x4a: {  	v3 =	vperm.xlane v3, v2  }
0x4b: {  	[tilespmem:s21], [sflag:$0x1] =	stream.indirect_vreg.gather [hbm4b:s3+s1], $0x80, v4, vm0, $0xb8;
	[tilespmem:$0x18100] =	vst v63  }
0x4c: {  	v3 =	vadd.s32 v1, v3  }
0x4d: {  	[tilespmem:s22], [sflag:$0x1] =	stream.indirect_vreg.gather [hbm4b:s4+s1], $0x80, v4, vm0, $0xb8;
	[tilespmem:$0x18100] =	vst v63  }
0x4e: {  	_ = 	snop  }
0x4f: {  	[tilespmem:s23], [sflag:$0x1] =	stream.indirect_vreg.gather [hbm4b:s5+s1], $0x80, v4, vm0, $0xb8;
	[tilespmem:$0x18100] =	vst v63  }
0x50: {  	_ = 	snop  }
0x51: {  	[tilespmem:s24], [sflag:$0x1] =	stream.indirect_vreg.gather [hbm4b:s3+s1], $0x80, v3, vm0, $0xb8;
	[tilespmem:$0x18100] =	vst v63  }
0x52: {  	_ = 	snop  }
0x53: {  	[tilespmem:s25], [sflag:$0x1] =	stream.indirect_vreg.gather [hbm4b:s4+s1], $0x80, v3, vm0, $0xb8;
	[tilespmem:$0x18100] =	vst v63  }
0x54: {  	_ = 	snop  }
0x55: {  	[tilespmem:s26], [sflag:$0x1] =	stream.indirect_vreg.gather [hbm4b:s5+s1], $0x80, v3, vm0, $0xb8;
	[tilespmem:$0x18100] =	vst v63  }
0x56: {  	v3 =	vld [tilespmem:$0x30];
	_ =	sdelay $0x4  }
0x57: {  	v51 =	vshrl.u32 v3, $0x3  }
0x58: {  	v4 =	vmul.u32 $0x30, v51  }
0x59: {  	v3 =	vand.u32 $0x7, v3  }
0x5a: {  	v3 =	vor.u32 v3, v4  }
0x5b: {  	v4 =	vperm.xlane v3, v0;
	_ =	sdelay $0x1  }
0x5c: {  	v4 =	vadd.s32 v1, v4;
	_ =	sdelay $0x3  }
0x5d: {  	v3 =	vperm.xlane v3, v2  }
0x5e: {  	[tilespmem:s28], [sflag:$0x1] =	stream.indirect_vreg.gather [hbm4b:s3+s1], $0x80, v4, vm0, $0xb8;
	[tilespmem:$0x18100] =	vst v63  }
0x5f: {  	v3 =	vadd.s32 v1, v3  }
0x60: {  	[tilespmem:s29], [sflag:$0x1] =	stream.indirect_vreg.gather [hbm4b:s4+s1], $0x80, v4, vm0, $0xb8;
	[tilespmem:$0x18100] =	vst v63  }
0x61: {  	_ = 	snop  }
0x62: {  	[tilespmem:s30], [sflag:$0x1] =	stream.indirect_vreg.gather [hbm4b:s5+s1], $0x80, v4, vm0, $0xb8;
	[tilespmem:$0x18100] =	vst v63  }
0x63: {  	_ = 	snop  }
0x64: {  	[tilespmem:s31], [sflag:$0x1] =	stream.indirect_vreg.gather [hbm4b:s3+s1], $0x80, v3, vm0, $0xb8;
	[tilespmem:$0x18100] =	vst v63  }
0x65: {  	s9 =	simm.s32 $0xB100  }
0x66: {  	[tilespmem:s9], [sflag:$0x1] =	stream.indirect_vreg.gather [hbm4b:s4+s1], $0x80, v3, vm0, $0xb8;
	[tilespmem:$0x18100] =	vst v63  }
0x67: {  	_ = 	snop  }
0x68: {  	[tilespmem:s8], [sflag:$0x1] =	stream.indirect_vreg.gather [hbm4b:s5+s1], $0x80, v3, vm0, $0xb8;
	[tilespmem:$0x18100] =	vst v63  }
0x69: {  	v3 =	vld [tilespmem:$0x40];
	_ =	sdelay $0x4  }
0x6a: {  	v52 =	vshrl.u32 v3, $0x3  }
0x6b: {  	v4 =	vmul.u32 $0x30, v52  }
0x6c: {  	v3 =	vand.u32 $0x7, v3  }
0x6d: {  	v3 =	vor.u32 v3, v4  }
0x6e: {  	v4 =	vperm.xlane v3, v0;
	_ =	sdelay $0x1  }
0x6f: {  	v4 =	vadd.s32 v1, v4;
	_ =	sdelay $0x3  }
0x70: {  	s9 =	simm.s32 $0xC100;
	v3 =	vperm.xlane v3, v2  }
0x71: {  	[tilespmem:s9], [sflag:$0x1] =	stream.indirect_vreg.gather [hbm4b:s3+s1], $0x80, v4, vm0, $0xb8;
	[tilespmem:$0x18100] =	vst v63  }
0x72: {  	v3 =	vadd.s32 v1, v3;
	s9 =	simm.s32 $0xC900  }
0x73: {  	[tilespmem:s9], [sflag:$0x1] =	stream.indirect_vreg.gather [hbm4b:s4+s1], $0x80, v4, vm0, $0xb8;
	[tilespmem:$0x18100] =	vst v63  }
0x74: {  	s9 =	simm.s32 $0xD100  }
0x75: {  	[tilespmem:s9], [sflag:$0x1] =	stream.indirect_vreg.gather [hbm4b:s5+s1], $0x80, v4, vm0, $0xb8;
	[tilespmem:$0x18100] =	vst v63  }
0x76: {  	s9 =	simm.s32 $0xD900  }
0x77: {  	[tilespmem:s9], [sflag:$0x1] =	stream.indirect_vreg.gather [hbm4b:s3+s1], $0x80, v3, vm0, $0xb8;
	[tilespmem:$0x18100] =	vst v63  }
0x78: {  	s9 =	simm.s32 $0xE100  }
0x79: {  	[tilespmem:s9], [sflag:$0x1] =	stream.indirect_vreg.gather [hbm4b:s4+s1], $0x80, v3, vm0, $0xb8;
	[tilespmem:$0x18100] =	vst v63  }
0x7a: {  	s9 =	simm.s32 $0xE900  }
0x7b: {  	[tilespmem:s9], [sflag:$0x1] =	stream.indirect_vreg.gather [hbm4b:s5+s1], $0x80, v3, vm0, $0xb8;
	[tilespmem:$0x18100] =	vst v63  }
0x7c: {  	v3 =	vld [tilespmem:$0x50];
	_ =	sdelay $0x4  }
0x7d: {  	v53 =	vshrl.u32 v3, $0x3  }
0x7e: {  	v4 =	vmul.u32 $0x30, v53  }
0x7f: {  	v3 =	vand.u32 $0x7, v3  }
0x80: {  	v3 =	vor.u32 v3, v4  }
0x81: {  	v4 =	vperm.xlane v3, v0;
	_ =	sdelay $0x1  }
0x82: {  	v4 =	vadd.s32 v1, v4;
	_ =	sdelay $0x3  }
0x83: {  	s9 =	simm.s32 $0xF100;
	v3 =	vperm.xlane v3, v2  }
0x84: {  	[tilespmem:s9], [sflag:$0x1] =	stream.indirect_vreg.gather [hbm4b:s3+s1], $0x80, v4, vm0, $0xb8;
	[tilespmem:$0x18100] =	vst v63  }
0x85: {  	v3 =	vadd.s32 v1, v3;
	s9 =	simm.s32 $0xF900  }
0x86: {  	[tilespmem:s9], [sflag:$0x1] =	stream.indirect_vreg.gather [hbm4b:s4+s1], $0x80, v4, vm0, $0xb8;
	[tilespmem:$0x18100] =	vst v63  }
0x87: {  	s9 =	simm.s32 $0x10100  }
0x88: {  	[tilespmem:s9], [sflag:$0x1] =	stream.indirect_vreg.gather [hbm4b:s5+s1], $0x80, v4, vm0, $0xb8;
	[tilespmem:$0x18100] =	vst v63  }
0x89: {  	s9 =	simm.s32 $0x10900  }
0x8a: {  	[tilespmem:s9], [sflag:$0x1] =	stream.indirect_vreg.gather [hbm4b:s3+s1], $0x80, v3, vm0, $0xb8;
	[tilespmem:$0x18100] =	vst v63  }
0x8b: {  	s9 =	simm.s32 $0x11100  }
0x8c: {  	[tilespmem:s9], [sflag:$0x1] =	stream.indirect_vreg.gather [hbm4b:s4+s1], $0x80, v3, vm0, $0xb8;
	[tilespmem:$0x18100] =	vst v63  }
0x8d: {  	s9 =	simm.s32 $0x11900  }
0x8e: {  	[tilespmem:s9], [sflag:$0x1] =	stream.indirect_vreg.gather [hbm4b:s5+s1], $0x80, v3, vm0, $0xb8;
	[tilespmem:$0x18100] =	vst v63  }
0x8f: {  	v3 =	vld [tilespmem:$0x60];
	_ =	sdelay $0x4  }
0x90: {  	v54 =	vshrl.u32 v3, $0x3  }
0x91: {  	v4 =	vmul.u32 $0x30, v54  }
0x92: {  	v3 =	vand.u32 $0x7, v3  }
0x93: {  	v3 =	vor.u32 v3, v4  }
0x94: {  	v4 =	vperm.xlane v3, v0;
	_ =	sdelay $0x1  }
0x95: {  	v4 =	vadd.s32 v1, v4;
	_ =	sdelay $0x3  }
0x96: {  	s9 =	simm.s32 $0x12100;
	v3 =	vperm.xlane v3, v2  }
0x97: {  	[tilespmem:s9], [sflag:$0x1] =	stream.indirect_vreg.gather [hbm4b:s3+s1], $0x80, v4, vm0, $0xb8;
	[tilespmem:$0x18100] =	vst v63  }
0x98: {  	v3 =	vadd.s32 v1, v3;
	s9 =	simm.s32 $0x12900  }
0x99: {  	[tilespmem:s9], [sflag:$0x1] =	stream.indirect_vreg.gather [hbm4b:s4+s1], $0x80, v4, vm0, $0xb8;
	[tilespmem:$0x18100] =	vst v63  }
0x9a: {  	s9 =	simm.s32 $0x13100  }
0x9b: {  	[tilespmem:s9], [sflag:$0x1] =	stream.indirect_vreg.gather [hbm4b:s5+s1], $0x80, v4, vm0, $0xb8;
	[tilespmem:$0x18100] =	vst v63  }
0x9c: {  	s9 =	simm.s32 $0x13900  }
0x9d: {  	[tilespmem:s9], [sflag:$0x1] =	stream.indirect_vreg.gather [hbm4b:s3+s1], $0x80, v3, vm0, $0xb8;
	[tilespmem:$0x18100] =	vst v63  }
0x9e: {  	s9 =	simm.s32 $0x14100  }
0x9f: {  	[tilespmem:s9], [sflag:$0x1] =	stream.indirect_vreg.gather [hbm4b:s4+s1], $0x80, v3, vm0, $0xb8;
	[tilespmem:$0x18100] =	vst v63  }
0xa0: {  	s9 =	simm.s32 $0x14900  }
0xa1: {  	[tilespmem:s9], [sflag:$0x1] =	stream.indirect_vreg.gather [hbm4b:s5+s1], $0x80, v3, vm0, $0xb8;
	[tilespmem:$0x18100] =	vst v63  }
0xa2: {  	v3 =	vld [tilespmem:$0x70];
	_ =	sdelay $0x4  }
0xa3: {  	v55 =	vshrl.u32 v3, $0x3  }
0xa4: {  	v4 =	vmul.u32 $0x30, v55  }
0xa5: {  	v3 =	vand.u32 $0x7, v3  }
0xa6: {  	v3 =	vor.u32 v3, v4  }
0xa7: {  	v4 =	vperm.xlane v3, v0;
	_ =	sdelay $0x1  }
0xa8: {  	v4 =	vadd.s32 v1, v4;
	_ =	sdelay $0x3  }
0xa9: {  	s9 =	simm.s32 $0x15100;
	v3 =	vperm.xlane v3, v2  }
0xaa: {  	[tilespmem:s9], [sflag:$0x1] =	stream.indirect_vreg.gather [hbm4b:s3+s1], $0x80, v4, vm0, $0xb8;
	[tilespmem:$0x18100] =	vst v63  }
0xab: {  	v3 =	vadd.s32 v1, v3;
	s9 =	simm.s32 $0x15900  }
0xac: {  	[tilespmem:s9], [sflag:$0x1] =	stream.indirect_vreg.gather [hbm4b:s4+s1], $0x80, v4, vm0, $0xb8;
	[tilespmem:$0x18100] =	vst v63  }
0xad: {  	s9 =	simm.s32 $0x16100  }
0xae: {  	[tilespmem:s9], [sflag:$0x1] =	stream.indirect_vreg.gather [hbm4b:s5+s1], $0x80, v4, vm0, $0xb8;
	[tilespmem:$0x18100] =	vst v63  }
0xaf: {  	s9 =	simm.s32 $0x16900  }
0xb0: {  	[tilespmem:s9], [sflag:$0x1] =	stream.indirect_vreg.gather [hbm4b:s3+s1], $0x80, v3, vm0, $0xb8;
	[tilespmem:$0x18100] =	vst v63  }
0xb1: {  	s9 =	simm.s32 $0x17100  }
0xb2: {  	[tilespmem:s9], [sflag:$0x1] =	stream.indirect_vreg.gather [hbm4b:s4+s1], $0x80, v3, vm0, $0xb8;
	[tilespmem:$0x18100] =	vst v63  }
0xb3: {  	s9 =	simm.s32 $0x17900  }
0xb4: {  	[tilespmem:s9], [sflag:$0x1] =	stream.indirect_vreg.gather [hbm4b:s5+s1], $0x80, v3, vm0, $0xb8;
	[tilespmem:$0x18100] =	vst v63  }
0xb5: {  	_ =	swait.ge [sflag:s2], $0x18000  }
0xb6: {  	[sflag:s2] =	ssyncset.done $0x0  }
0xb7: {  	s0 =	simm.s32 $0x100;
	s9 =	rddreg [dreg:$0x4];
	[sflag:s2] =	ssyncadd.s32 $0xFFFE8000  }
0xb8: {  	[hbm4b:s9+s1] =	stream.linear.scatter [tilespmem:s0], [sflag:$0x2], $0x18000, $0x38;
	[tilespmem:$0x18100] =	vst v63  }
0xb9: {  	_ =	swait.ge [sflag:s7], $0x18000  }
0xba: {  	[sflag:s7] =	ssyncset.done $0x0  }
0xbb: {  	[sflag:s7] =	ssyncadd.s32 $0xFFFE8000  }
0xbc: {  	v3 =	vld [tilespmem:$0x80];
	_ =	sdelay $0x4  }
0xbd: {  	v56 =	vshrl.u32 v3, $0x3  }
0xbe: {  	v4 =	vmul.u32 $0x30, v56  }
0xbf: {  	v3 =	vand.u32 $0x7, v3  }
0xc0: {  	v3 =	vor.u32 v3, v4  }
0xc1: {  	v4 =	vperm.xlane v3, v0;
	_ =	sdelay $0x1  }
0xc2: {  	v4 =	vadd.s32 v1, v4;
	_ =	sdelay $0x3  }
0xc3: {  	v3 =	vperm.xlane v3, v2  }
0xc4: {  	[tilespmem:s0], [sflag:$0x1] =	stream.indirect_vreg.gather [hbm4b:s3+s1], $0x80, v4, vm0, $0xb8;
	[tilespmem:$0x18100] =	vst v63  }
0xc5: {  	v3 =	vadd.s32 v1, v3  }
0xc6: {  	[tilespmem:s10], [sflag:$0x1] =	stream.indirect_vreg.gather [hbm4b:s4+s1], $0x80, v4, vm0, $0xb8;
	[tilespmem:$0x18100] =	vst v63  }
0xc7: {  	_ = 	snop  }
0xc8: {  	[tilespmem:s11], [sflag:$0x1] =	stream.indirect_vreg.gather [hbm4b:s5+s1], $0x80, v4, vm0, $0xb8;
	[tilespmem:$0x18100] =	vst v63  }
0xc9: {  	_ = 	snop  }
0xca: {  	[tilespmem:s12], [sflag:$0x1] =	stream.indirect_vreg.gather [hbm4b:s3+s1], $0x80, v3, vm0, $0xb8;
	[tilespmem:$0x18100] =	vst v63  }
0xcb: {  	_ = 	snop  }
0xcc: {  	[tilespmem:s13], [sflag:$0x1] =	stream.indirect_vreg.gather [hbm4b:s4+s1], $0x80, v3, vm0, $0xb8;
	[tilespmem:$0x18100] =	vst v63  }
0xcd: {  	_ = 	snop  }
0xce: {  	[tilespmem:s14], [sflag:$0x1] =	stream.indirect_vreg.gather [hbm4b:s5+s1], $0x80, v3, vm0, $0xb8;
	[tilespmem:$0x18100] =	vst v63  }
0xcf: {  	v3 =	vld [tilespmem:$0x90];
	_ =	sdelay $0x4  }
0xd0: {  	v57 =	vshrl.u32 v3, $0x3  }
0xd1: {  	v4 =	vmul.u32 $0x30, v57  }
0xd2: {  	v3 =	vand.u32 $0x7, v3  }
0xd3: {  	v3 =	vor.u32 v3, v4  }
0xd4: {  	v4 =	vperm.xlane v3, v0;
	_ =	sdelay $0x1  }
0xd5: {  	v4 =	vadd.s32 v1, v4;
	_ =	sdelay $0x3  }
0xd6: {  	v3 =	vperm.xlane v3, v2  }
0xd7: {  	[tilespmem:s15], [sflag:$0x1] =	stream.indirect_vreg.gather [hbm4b:s3+s1], $0x80, v4, vm0, $0xb8;
	[tilespmem:$0x18100] =	vst v63  }
0xd8: {  	v3 =	vadd.s32 v1, v3  }
0xd9: {  	[tilespmem:s16], [sflag:$0x1] =	stream.indirect_vreg.gather [hbm4b:s4+s1], $0x80, v4, vm0, $0xb8;
	[tilespmem:$0x18100] =	vst v63  }
0xda: {  	_ = 	snop  }
0xdb: {  	[tilespmem:s17], [sflag:$0x1] =	stream.indirect_vreg.gather [hbm4b:s5+s1], $0x80, v4, vm0, $0xb8;
	[tilespmem:$0x18100] =	vst v63  }
0xdc: {  	_ = 	snop  }
0xdd: {  	[tilespmem:s18], [sflag:$0x1] =	stream.indirect_vreg.gather [hbm4b:s3+s1], $0x80, v3, vm0, $0xb8;
	[tilespmem:$0x18100] =	vst v63  }
0xde: {  	_ = 	snop  }
0xdf: {  	[tilespmem:s19], [sflag:$0x1] =	stream.indirect_vreg.gather [hbm4b:s4+s1], $0x80, v3, vm0, $0xb8;
	[tilespmem:$0x18100] =	vst v63  }
0xe0: {  	_ = 	snop  }
0xe1: {  	[tilespmem:s20], [sflag:$0x1] =	stream.indirect_vreg.gather [hbm4b:s5+s1], $0x80, v3, vm0, $0xb8;
	[tilespmem:$0x18100] =	vst v63  }
0xe2: {  	v3 =	vld [tilespmem:$0xA0];
	_ =	sdelay $0x4  }
0xe3: {  	v58 =	vshrl.u32 v3, $0x3  }
0xe4: {  	v4 =	vmul.u32 $0x30, v58  }
0xe5: {  	v3 =	vand.u32 $0x7, v3  }
0xe6: {  	v3 =	vor.u32 v3, v4  }
0xe7: {  	v4 =	vperm.xlane v3, v0;
	_ =	sdelay $0x1  }
0xe8: {  	v4 =	vadd.s32 v1, v4;
	_ =	sdelay $0x3  }
0xe9: {  	v3 =	vperm.xlane v3, v2  }
0xea: {  	[tilespmem:s21], [sflag:$0x1] =	stream.indirect_vreg.gather [hbm4b:s3+s1], $0x80, v4, vm0, $0xb8;
	[tilespmem:$0x18100] =	vst v63  }
0xeb: {  	v3 =	vadd.s32 v1, v3  }
0xec: {  	[tilespmem:s22], [sflag:$0x1] =	stream.indirect_vreg.gather [hbm4b:s4+s1], $0x80, v4, vm0, $0xb8;
	[tilespmem:$0x18100] =	vst v63  }
0xed: {  	_ = 	snop  }
0xee: {  	[tilespmem:s23], [sflag:$0x1] =	stream.indirect_vreg.gather [hbm4b:s5+s1], $0x80, v4, vm0, $0xb8;
	[tilespmem:$0x18100] =	vst v63  }
0xef: {  	_ = 	snop  }
0xf0: {  	[tilespmem:s24], [sflag:$0x1] =	stream.indirect_vreg.gather [hbm4b:s3+s1], $0x80, v3, vm0, $0xb8;
	[tilespmem:$0x18100] =	vst v63  }
0xf1: {  	_ = 	snop  }
0xf2: {  	[tilespmem:s25], [sflag:$0x1] =	stream.indirect_vreg.gather [hbm4b:s4+s1], $0x80, v3, vm0, $0xb8;
	[tilespmem:$0x18100] =	vst v63  }
0xf3: {  	_ = 	snop  }
0xf4: {  	[tilespmem:s26], [sflag:$0x1] =	stream.indirect_vreg.gather [hbm4b:s5+s1], $0x80, v3, vm0, $0xb8;
	[tilespmem:$0x18100] =	vst v63  }
0xf5: {  	v3 =	vld [tilespmem:$0xB0];
	_ =	sdelay $0x4  }
0xf6: {  	v59 =	vshrl.u32 v3, $0x3  }
0xf7: {  	v4 =	vmul.u32 $0x30, v59  }
0xf8: {  	v3 =	vand.u32 $0x7, v3  }
0xf9: {  	v3 =	vor.u32 v3, v4  }
0xfa: {  	v4 =	vperm.xlane v3, v0;
	_ =	sdelay $0x1  }
0xfb: {  	v4 =	vadd.s32 v1, v4;
	_ =	sdelay $0x3  }
0xfc: {  	v3 =	vperm.xlane v3, v2  }
0xfd: {  	[tilespmem:s28], [sflag:$0x1] =	stream.indirect_vreg.gather [hbm4b:s3+s1], $0x80, v4, vm0, $0xb8;
	[tilespmem:$0x18100] =	vst v63  }
0xfe: {  	v3 =	vadd.s32 v1, v3  }
0xff: {  	[tilespmem:s29], [sflag:$0x1] =	stream.indirect_vreg.gather [hbm4b:s4+s1], $0x80, v4, vm0, $0xb8;
	[tilespmem:$0x18100] =	vst v63  }
0x100: {  	_ = 	snop  }
0x101: {  	[tilespmem:s30], [sflag:$0x1] =	stream.indirect_vreg.gather [hbm4b:s5+s1], $0x80, v4, vm0, $0xb8;
	[tilespmem:$0x18100] =	vst v63  }
0x102: {  	_ = 	snop  }
0x103: {  	[tilespmem:s31], [sflag:$0x1] =	stream.indirect_vreg.gather [hbm4b:s3+s1], $0x80, v3, vm0, $0xb8;
	[tilespmem:$0x18100] =	vst v63  }
0x104: {  	s10 =	simm.s32 $0xB100  }
0x105: {  	[tilespmem:s10], [sflag:$0x1] =	stream.indirect_vreg.gather [hbm4b:s4+s1], $0x80, v3, vm0, $0xb8;
	[tilespmem:$0x18100] =	vst v63  }
0x106: {  	_ = 	snop  }
0x107: {  	[tilespmem:s8], [sflag:$0x1] =	stream.indirect_vreg.gather [hbm4b:s5+s1], $0x80, v3, vm0, $0xb8;
	[tilespmem:$0x18100] =	vst v63  }
0x108: {  	v3 =	vld [tilespmem:$0xC0];
	_ =	sdelay $0x4  }
0x109: {  	v60 =	vshrl.u32 v3, $0x3  }
0x10a: {  	v4 =	vmul.u32 $0x30, v60  }
0x10b: {  	v3 =	vand.u32 $0x7, v3  }
0x10c: {  	v3 =	vor.u32 v3, v4  }
0x10d: {  	v4 =	vperm.xlane v3, v0;
	_ =	sdelay $0x1  }
0x10e: {  	v4 =	vadd.s32 v1, v4;
	_ =	sdelay $0x3  }
0x10f: {  	s9 =	simm.s32 $0xC100;
	v3 =	vperm.xlane v3, v2  }
0x110: {  	[tilespmem:s9], [sflag:$0x1] =	stream.indirect_vreg.gather [hbm4b:s3+s1], $0x80, v4, vm0, $0xb8;
	[tilespmem:$0x18100] =	vst v63  }
0x111: {  	s10 =	simm.s32 $0xC900;
	v3 =	vadd.s32 v1, v3  }
0x112: {  	[tilespmem:s10], [sflag:$0x1] =	stream.indirect_vreg.gather [hbm4b:s4+s1], $0x80, v4, vm0, $0xb8;
	[tilespmem:$0x18100] =	vst v63  }
0x113: {  	s9 =	simm.s32 $0xD100  }
0x114: {  	[tilespmem:s9], [sflag:$0x1] =	stream.indirect_vreg.gather [hbm4b:s5+s1], $0x80, v4, vm0, $0xb8;
	[tilespmem:$0x18100] =	vst v63  }
0x115: {  	s10 =	simm.s32 $0xD900  }
0x116: {  	[tilespmem:s10], [sflag:$0x1] =	stream.indirect_vreg.gather [hbm4b:s3+s1], $0x80, v3, vm0, $0xb8;
	[tilespmem:$0x18100] =	vst v63  }
0x117: {  	s9 =	simm.s32 $0xE100  }
0x118: {  	[tilespmem:s9], [sflag:$0x1] =	stream.indirect_vreg.gather [hbm4b:s4+s1], $0x80, v3, vm0, $0xb8;
	[tilespmem:$0x18100] =	vst v63  }
0x119: {  	s10 =	simm.s32 $0xE900  }
0x11a: {  	[tilespmem:s10], [sflag:$0x1] =	stream.indirect_vreg.gather [hbm4b:s5+s1], $0x80, v3, vm0, $0xb8;
	[tilespmem:$0x18100] =	vst v63  }
0x11b: {  	v3 =	vld [tilespmem:$0xD0];
	_ =	sdelay $0x4  }
0x11c: {  	v61 =	vshrl.u32 v3, $0x3  }
0x11d: {  	v4 =	vmul.u32 $0x30, v61  }
0x11e: {  	v3 =	vand.u32 $0x7, v3  }
0x11f: {  	v3 =	vor.u32 v3, v4  }
0x120: {  	v4 =	vperm.xlane v3, v0;
	_ =	sdelay $0x1  }
0x121: {  	v4 =	vadd.s32 v1, v4;
	_ =	sdelay $0x3  }
0x122: {  	s9 =	simm.s32 $0xF100;
	v3 =	vperm.xlane v3, v2  }
0x123: {  	[tilespmem:s9], [sflag:$0x1] =	stream.indirect_vreg.gather [hbm4b:s3+s1], $0x80, v4, vm0, $0xb8;
	[tilespmem:$0x18100] =	vst v63  }
0x124: {  	s10 =	simm.s32 $0xF900;
	v3 =	vadd.s32 v1, v3  }
0x125: {  	[tilespmem:s10], [sflag:$0x1] =	stream.indirect_vreg.gather [hbm4b:s4+s1], $0x80, v4, vm0, $0xb8;
	[tilespmem:$0x18100] =	vst v63  }
0x126: {  	s9 =	simm.s32 $0x10100  }
0x127: {  	[tilespmem:s9], [sflag:$0x1] =	stream.indirect_vreg.gather [hbm4b:s5+s1], $0x80, v4, vm0, $0xb8;
	[tilespmem:$0x18100] =	vst v63  }
0x128: {  	s10 =	simm.s32 $0x10900  }
0x129: {  	[tilespmem:s10], [sflag:$0x1] =	stream.indirect_vreg.gather [hbm4b:s3+s1], $0x80, v3, vm0, $0xb8;
	[tilespmem:$0x18100] =	vst v63  }
0x12a: {  	s9 =	simm.s32 $0x11100  }
0x12b: {  	[tilespmem:s9], [sflag:$0x1] =	stream.indirect_vreg.gather [hbm4b:s4+s1], $0x80, v3, vm0, $0xb8;
	[tilespmem:$0x18100] =	vst v63  }
0x12c: {  	s10 =	simm.s32 $0x11900  }
0x12d: {  	[tilespmem:s10], [sflag:$0x1] =	stream.indirect_vreg.gather [hbm4b:s5+s1], $0x80, v3, vm0, $0xb8;
	[tilespmem:$0x18100] =	vst v63  }
0x12e: {  	v3 =	vld [tilespmem:$0xE0];
	_ =	sdelay $0x4  }
0x12f: {  	v62 =	vshrl.u32 v3, $0x3  }
0x130: {  	v4 =	vmul.u32 $0x30, v62  }
0x131: {  	v3 =	vand.u32 $0x7, v3  }
0x132: {  	v3 =	vor.u32 v3, v4  }
0x133: {  	v4 =	vperm.xlane v3, v0;
	_ =	sdelay $0x1  }
0x134: {  	v4 =	vadd.s32 v1, v4;
	_ =	sdelay $0x3  }
0x135: {  	s9 =	simm.s32 $0x12100;
	v3 =	vperm.xlane v3, v2  }
0x136: {  	[tilespmem:s9], [sflag:$0x1] =	stream.indirect_vreg.gather [hbm4b:s3+s1], $0x80, v4, vm0, $0xb8;
	[tilespmem:$0x18100] =	vst v63  }
0x137: {  	s10 =	simm.s32 $0x12900;
	v3 =	vadd.s32 v1, v3  }
0x138: {  	[tilespmem:s10], [sflag:$0x1] =	stream.indirect_vreg.gather [hbm4b:s4+s1], $0x80, v4, vm0, $0xb8;
	[tilespmem:$0x18100] =	vst v63  }
0x139: {  	s9 =	simm.s32 $0x13100  }
0x13a: {  	[tilespmem:s9], [sflag:$0x1] =	stream.indirect_vreg.gather [hbm4b:s5+s1], $0x80, v4, vm0, $0xb8;
	[tilespmem:$0x18100] =	vst v63  }
0x13b: {  	s10 =	simm.s32 $0x13900  }
0x13c: {  	[tilespmem:s10], [sflag:$0x1] =	stream.indirect_vreg.gather [hbm4b:s3+s1], $0x80, v3, vm0, $0xb8;
	[tilespmem:$0x18100] =	vst v63  }
0x13d: {  	s9 =	simm.s32 $0x14100  }
0x13e: {  	[tilespmem:s9], [sflag:$0x1] =	stream.indirect_vreg.gather [hbm4b:s4+s1], $0x80, v3, vm0, $0xb8;
	[tilespmem:$0x18100] =	vst v63  }
0x13f: {  	s10 =	simm.s32 $0x14900  }
0x140: {  	[tilespmem:s10], [sflag:$0x1] =	stream.indirect_vreg.gather [hbm4b:s5+s1], $0x80, v3, vm0, $0xb8;
	[tilespmem:$0x18100] =	vst v63  }
0x141: {  	v3 =	vld [tilespmem:$0xF0];
	_ =	sdelay $0x4  }
0x142: {  	v63 =	vshrl.u32 v3, $0x3  }
0x143: {  	v4 =	vmul.u32 $0x30, v63  }
0x144: {  	v3 =	vand.u32 $0x7, v3  }
0x145: {  	v3 =	vor.u32 v3, v4  }
0x146: {  	v4 =	vperm.xlane v3, v0;
	_ =	sdelay $0x1  }
0x147: {  	v4 =	vadd.s32 v1, v4;
	_ =	sdelay $0x3  }
0x148: {  	s9 =	simm.s32 $0x15100;
	v3 =	vperm.xlane v3, v2  }
0x149: {  	[tilespmem:s9], [sflag:$0x1] =	stream.indirect_vreg.gather [hbm4b:s3+s1], $0x80, v4, vm0, $0xb8;
	[tilespmem:$0x18100] =	vst v63  }
0x14a: {  	s10 =	simm.s32 $0x15900;
	v3 =	vadd.s32 v1, v3  }
0x14b: {  	[tilespmem:s10], [sflag:$0x1] =	stream.indirect_vreg.gather [hbm4b:s4+s1], $0x80, v4, vm0, $0xb8;
	[tilespmem:$0x18100] =	vst v63  }
0x14c: {  	s9 =	simm.s32 $0x16100  }
0x14d: {  	[tilespmem:s9], [sflag:$0x1] =	stream.indirect_vreg.gather [hbm4b:s5+s1], $0x80, v4, vm0, $0xb8;
	[tilespmem:$0x18100] =	vst v63  }
0x14e: {  	s10 =	simm.s32 $0x16900  }
0x14f: {  	[tilespmem:s10], [sflag:$0x1] =	stream.indirect_vreg.gather [hbm4b:s3+s1], $0x80, v3, vm0, $0xb8;
	[tilespmem:$0x18100] =	vst v63  }
0x150: {  	s9 =	simm.s32 $0x17100  }
0x151: {  	[tilespmem:s9], [sflag:$0x1] =	stream.indirect_vreg.gather [hbm4b:s4+s1], $0x80, v3, vm0, $0xb8;
	[tilespmem:$0x18100] =	vst v63  }
0x152: {  	s10 =	simm.s32 $0x17900  }
0x153: {  	[tilespmem:s10], [sflag:$0x1] =	stream.indirect_vreg.gather [hbm4b:s5+s1], $0x80, v3, vm0, $0xb8;
	[tilespmem:$0x18100] =	vst v63  }
0x154: {  	_ =	swait.ge [sflag:s2], $0x18000  }
0x155: {  	p0 =	sne.s32 s6, $0x1;
	s10 =	simm.s32 $0x100;
	[sflag:s2] =	ssyncset.done $0x0  }
.Ltmp0:
0x156: {  	s0 =	rddreg [dreg:$0x5];
	[sflag:s2] =	ssyncadd.s32 $0xFFFE8000;
	(pc) =	sbr.rel @p0 .LBB2_1-.Ltmp0, $4  }
0x157: {  	[hbm4b:s0+s1] =	stream.linear.scatter [tilespmem:s10], [sflag:$0x2], $0x18000, $0x38;
	[tilespmem:$0x18100] =	vst v63  }
0x158: {  	_ =	swait.ge [sflag:s7], $0x18000  }
0x159: {  	[sflag:s7] =	ssyncset.done $0x0  }
0x15a: {  	s6 =	sadd.s32 $0xFFFFFFFF, s6;
	[sflag:s7] =	ssyncadd.s32 $0xFFFE8000  }
0x15b: {  	_ =	sfence.sel $0x180000  }
0x15c: {  	[bflag:$0x0] =	sbarrier.arrive $0xFFFF  }
0x15d: {  	_ =	strace $0x9000004A  }
0x15e: {  	s0 =	stileid.u32;
	[bflag:$0x2] =	sbarrier.arrive $0xFFFF  }
0x15f: {  	p0 =	sne.s32 s0, $0x0;
	s0 =	rddreg [dreg:$0x1]  }
0x160: {  	s0 =	sadd.s32 @!p0 $0x100000, s0  }
0x161: {  	[sflag:s0] =	ssyncadd.tile.s32 @!p0 $0x1;
	_ =	shalt  }
.Lfunc_end2:
_tile_overlayer_lowered:
.L_overlay_start_2:
0x162: {  	(tag) =	ssettag $0x2  }
0x163: {  	s0 =	rddreg [dreg:$0x0];
	s2 =	stileid.u32  }
0x164: {  	s1 =	rddreg [dreg:$0x1];
	p0 =	sne.s32 s2, $0x0  }
0x165: {  	s3 =	rddreg [dreg:$0x2];
	[bflag:$0x3] =	sbarrier.arrive $0xFFFF;
	s2 =	simm.s32 @!p0 $0x1C02  }
0x166: {  	[timem:s3], [sflag:s2] =	dma.local @!p0 [hbm:s0], s1  }
0x167: {  	s0 =	simm.s32 @!p0 $0x2  }
0x168: {  	_ =	swait.ge @!p0 [sflag:s0], s1  }
0x169: {  	s1 =	ssub.s32 @!p0 $0x0, s1;
	[sflag:s0] =	ssyncset.done @!p0 $0x0  }
0x16a: {  	[sflag:s0] =	ssyncadd.s32 @!p0 s1  }
0x16b: {  	[bflag:$0x3] =	sbarrier.arrive $0xFFFF  }
0x16c: {  	_ =	shalt  }

// kernel: kernel.8.cloned.1.call-start
scs
__scs_entry_jumppad:
0x0: {  	(pc) =	sbr.rel $0x88, $3  }
0x1: {  	(tag) =	ssettag $0x0;
	lr =	simm.s32 $0x1  }
0x2: {  	[smem:$0x3F9B] =	sst lr;
	_ =	strace $0xD0000000  }
0x3: {  	_ = 	snop  }
0x4: {  	_ = 	snop  }
0x5: {  	_ = 	snop  }
0x6: {  	_ = 	snop  }
0x7: {  	_ = 	snop  }
__scs_overlays_trampoline_lowered:
0x8: {  	[smem:$0x3FAA] =	sst s0  }
0x9: {  	[smem:$0x3FAB] =	sst s1  }
0xa: {  	[smem:$0x3FAC] =	sst s2  }
0xb: {  	[smem:$0x3FAD] =	sst s3  }
0xc: {  	[smem:$0x3FAE] =	sst s4  }
0xd: {  	[smem:$0x3FAF] =	sst s5  }
0xe: {  	[smem:$0x3FB0] =	sst s6  }
0xf: {  	[smem:$0x3FB1] =	sst s7  }
0x10: {  	[smem:$0x3FB2] =	sst s8  }
0x11: {  	[smem:$0x3FB3] =	sst s9;
	s0 =	simm.s32 @!p0 $0x0  }
0x12: {  	s1 =	sld [smem:$0x3F99];
	s0 =	simm.s32 @p0 $0x1  }
0x13: {  	[smem:$0x3FB4] =	sst s0;
	s0 =	simm.s32 @!p1 $0x0  }
0x14: {  	s2 =	sld [smem:$0x3F98];
	s0 =	simm.s32 @p1 $0x1  }
0x15: {  	[smem:$0x3FB5] =	sst s0;
	s0 =	simm.s32 @!p2 $0x0  }
0x16: {  	s3 =	sld [smem:$0x3FDB];
	s0 =	simm.s32 @p2 $0x1  }
0x17: {  	s4 =	simm.s32 $0x1BF5;
	[smem:$0x3FB7] =	sst s0  }
0x18: {  	s0 =	sld [smem:$0x3F9A];
	_ =	swait.ge [sflag:s4], $0x0  }
0x19: {  	s7 =	sld [smem:$0x3F9B]  }
0x1a: {  	s8 =	sadd.s32 $0xFFFFE003, lr  }
0x1b: {  	s9 =	sadd.s32 $0xFFFFFEF7, lr;
	s5 =	simm.s32 $0xFFFFFFFF;
	p2 =	slt.u32 s8, $0xFFFFF086  }
0x1c: {  	p1 =	slt.u32 s9, $0xF7A;
	s5 =	simm.s32 @!p2 $0x0  }
0x1d: {  	s5 =	simm.s32 @p1 $0x1;
	p0 =	seq.s32 s7, s2  }
0x1e: {  	s7 =	smul.u32 @!p0 $0xF7A, s2;
	p2 =	seq.s32 @!p0 s5, $0x0  }
0x1f: {  	s9 =	smul.u32 $0xF7A, s1;
	s8 =	simm.s32 @!p0 $0x1BF5;
	p2 =	por !p2, p0  }
0x20: {  	[sflag:s8] =	ssyncset.s32 @!p0 $0xFFFFF086;
	s6 =	sadd.s32 @!p0 s3, s7;
	s7 =	simm.s32 @!p0 $0x108  }
0x21: {  	s3 =	sadd.s32 s3, s9;
	s6 =	sadd.s32 @!p0 $0x88, s6;
	s7 =	simm.s32 @p2 $0x1082  }
0x22: {  	[simem:s7], [sflag:s8] =	dma.local @!p0 [hbm:s6], $0xF7A  }
0x23: {  	s9 =	sor.u32 $0xD0000000, s2;
	s6 =	simm.s32 $0x108;
	_ =	swait.ge @!p0 [sflag:s8], $0x0  }
0x24: {  	s3 =	sadd.s32 $0x88, s3;
	s6 =	simm.s32 @!p1 $0x1082;
	[sflag:s4] =	ssyncset.s32 $0xFFFFF086  }
0x25: {  	[simem:s6], [sflag:s4] =	dma.local [hbm:s3], $0xF7A  }
0x26: {  	[smem:$0x3F9B] =	sst s1;
	(tag) =	ssettag s2;
	_ =	strace s9  }
0x27: {  	s1 =	sld [smem:$0x3FAB]  }
0x28: {  	s2 =	sld [smem:$0x3FAC]  }
0x29: {  	s4 =	sld [smem:$0x3FAE]  }
0x2a: {  	p0 =	seq.s32 s5, $0x0;
	s5 =	sld [smem:$0x3FAF]  }
0x2b: {  	s6 =	sld [smem:$0x3FB0]  }
0x2c: {  	s7 =	sld [smem:$0x3FB1]  }
0x2d: {  	s3 =	simm.s32 $0x108;
	s8 =	sld [smem:$0x3FB2]  }
0x2e: {  	s3 =	simm.s32 @!p0 $0x1082;
	s9 =	sld [smem:$0x3FB3]  }
0x2f: {  	lr =	sadd.s32 s0, s3;
	s0 =	sld [smem:$0x3FAA]  }
0x30: {  	s3 =	sld [smem:$0x3FAD]  }
0x31: {  	[smem:$0x3FB6] =	sst s10  }
0x32: {  	s10 =	sld [smem:$0x3FB4];
	_ =	sdelay $0x3  }
0x33: {  	p0 =	seq.s32 s10, $0x1;
	s10 =	sld [smem:$0x3FB6];
	_ =	sdelay $0x3  }
0x34: {  	[smem:$0x3FB6] =	sst s10  }
0x35: {  	s10 =	sld [smem:$0x3FB5];
	_ =	sdelay $0x3  }
0x36: {  	p1 =	seq.s32 s10, $0x1;
	s10 =	sld [smem:$0x3FB6];
	_ =	sdelay $0x3  }
0x37: {  	[smem:$0x3FB6] =	sst s10  }
0x38: {  	s10 =	sld [smem:$0x3FB7]  }
0x39: {  	_ = 	snop;
	(pc) =	sbr.ind lr, $3  }
0x3a: {  	_ = 	snop  }
0x3b: {  	_ = 	snop  }
0x3c: {  	p2 =	seq.s32 s10, $0x1;
	s10 =	sld [smem:$0x3FB6]  }
0x3d: {  	_ =	shalt  }
0x3e: {  	_ =	shalt  }
0x3f: {  	_ =	shalt  }
0x40: {  	_ =	shalt  }
0x41: {  	_ =	shalt  }
0x42: {  	_ =	shalt  }
0x43: {  	_ =	shalt  }
0x44: {  	_ =	shalt  }
0x45: {  	_ =	shalt  }
0x46: {  	_ =	shalt  }
0x47: {  	_ =	shalt  }
0x48: {  	_ =	shalt  }
0x49: {  	_ =	shalt  }
0x4a: {  	_ =	shalt  }
0x4b: {  	_ =	shalt  }
0x4c: {  	_ =	shalt  }
0x4d: {  	_ =	shalt  }
0x4e: {  	_ =	shalt  }
0x4f: {  	_ =	shalt  }
0x50: {  	_ =	shalt  }
0x51: {  	_ =	shalt  }
0x52: {  	_ =	shalt  }
0x53: {  	_ =	shalt  }
0x54: {  	_ =	shalt  }
0x55: {  	_ =	shalt  }
0x56: {  	_ =	shalt  }
0x57: {  	_ =	shalt  }
0x58: {  	_ =	shalt  }
0x59: {  	_ =	shalt  }
0x5a: {  	_ =	shalt  }
0x5b: {  	_ =	shalt  }
0x5c: {  	_ =	shalt  }
0x5d: {  	_ =	shalt  }
0x5e: {  	_ =	shalt  }
0x5f: {  	_ =	shalt  }
0x60: {  	_ =	shalt  }
0x61: {  	_ =	shalt  }
0x62: {  	_ =	shalt  }
0x63: {  	_ =	shalt  }
0x64: {  	_ =	shalt  }
0x65: {  	_ =	shalt  }
0x66: {  	_ =	shalt  }
0x67: {  	_ =	shalt  }
0x68: {  	_ =	shalt  }
0x69: {  	_ =	shalt  }
0x6a: {  	_ =	shalt  }
0x6b: {  	_ =	shalt  }
0x6c: {  	_ =	shalt  }
0x6d: {  	_ =	shalt  }
0x6e: {  	_ =	shalt  }
0x6f: {  	_ =	shalt  }
0x70: {  	_ =	shalt  }
0x71: {  	_ =	shalt  }
0x72: {  	_ =	shalt  }
0x73: {  	_ =	shalt  }
0x74: {  	_ =	shalt  }
0x75: {  	_ =	shalt  }
0x76: {  	_ =	shalt  }
0x77: {  	_ =	shalt  }
0x78: {  	_ =	shalt  }
0x79: {  	_ =	shalt  }
0x7a: {  	_ =	shalt  }
0x7b: {  	_ =	shalt  }
0x7c: {  	_ =	shalt  }
0x7d: {  	_ =	shalt  }
0x7e: {  	_ =	shalt  }
0x7f: {  	_ =	shalt  }
0x80: {  	_ =	shalt  }
0x81: {  	_ =	shalt  }
0x82: {  	_ =	shalt  }
0x83: {  	_ =	shalt  }
0x84: {  	_ =	shalt  }
0x85: {  	_ =	shalt  }
0x86: {  	_ =	shalt  }
0x87: {  	_ =	shalt  }
.Lfunc_end0:
.L_simem_size_0:
called_computation_lowered:
.L_overlay_start_0:
0x88: {  	s2 =	sld [smem:$0x3FD9]  }
0x89: {  	s3 =	sld [smem:$0x3FFE];
	_ =	sdelay $0x1  }
0x8a: {  	s1 =	srdreg.scid  }
0x8b: {  	s0 =	sand.u32 $0x1, s1  }
0x8c: {  	s17 =	sshll.u32 s0, $0xA;
	s2 =	sadd.s32 s3, s2  }
0x8d: {  	s2 =	sadd.s32 s2, s17  }
0x8e: {  	[smem:$0x3FC2] =	sst s2  }
0x8f: {  	_ = 	snop  }
0x90: {  	s2 =	sld [smem:$0x3FC9];
	(tm) =	ssettm $0x1  }
0x91: {  	s18 =	sld [smem:$0x3FFB];
	_ =	sdelay $0x3  }
0x92: {  	_ =	strace s18  }
0x93: {  	s3 =	sld [smem:$0x3FFC];
	_ =	sdelay $0x3  }
0x94: {  	_ =	strace s3  }
0x95: {  	s3 =	sld [smem:$0x3FFD];
	_ =	sdelay $0x3  }
0x96: {  	_ =	strace s3  }
0x97: {  	_ =	strace $0x8FFFFFFF  }
0x98: {  	s19 =	sld [smem:$0x3FDB];
	_ =	sdelay $0x1  }
0x99: {  	s4 =	simm.s32 $_scs_section_size  }
0x9a: {  	s5 =	simm.s32 $_size__tile_overlayer_lowered;
	s6 =	simm.s32 $_tile_overlayer_lowered  }
0x9b: {  	s22 =	simm.s32 $0x1BFF;
	s21 =	sshll.u32 s6, $0x1;
	s3 =	sadd.s32 s4, s19  }
0x9c: {  	s7 =	simm.s32 $0x0;
	s20 =	sshll.u32 s5, $0x1;
	s5 =	sadd.s32 s21, s3  }
0x9d: {  	[timem:s7], [sflag:s22] =	dma.local [hbm:s5], s20  }
0x9e: {  	_ =	swait.ge [sflag:s22], s20  }
0x9f: {  	s4 =	ssub.s32 $0x0, s20;
	[sflag:s22] =	ssyncset.done $0x0  }
0xa0: {  	[sflag:s22] =	ssyncadd.s32 s4;
	_ =	sdelay $0x1  }
0xa1: {  	s23 =	simm.s32 $0x1B8B  }
0xa2: {  	_ =	swait.ge [sflag:s23], $0x1  }
0xa3: {  	[sflag:s23] =	ssyncset.done $0x0  }
0xa4: {  	s25 =	simm.s32 $0x1B8E;
	s24 =	sld [smem:$0x3FFE];
	[sflag:s23] =	ssyncadd.s32 $0xFFFFFFFF  }
0xa5: {  	s26 =	simm.s32 $execute0_lowered;
	[smem:$0x3FD2] =	sst s25  }
0xa6: {  	s5 =	sshll.u32 s26, $0x1;
	_ =	strace $0x80000046;
	[dreg:$0x1] =	wrdreg $0xFFFFFFFF  }
0xa7: {  	s28 =	simm.s32 $_size_execute0_lowered;
	s3 =	sadd.s32 s3, s5;
	[dreg:$0x0] =	wrdreg $0x0  }
0xa8: {  	s5 =	sshll.u32 s28, $0x1;
	[dreg:$0x2] =	wrdreg s3  }
0xa9: {  	[dreg:$0x3] =	wrdreg s5  }
0xaa: {  	[dreg:$0x4] =	wrdreg $0xC0  }
0xab: {  	_ =	task [dreg:s7], $0x5FFFF  }
0xac: {  	[dreg:$0x1] =	wrdreg $0xFFFFFFFF  }
0xad: {  	[dreg:$0x0] =	wrdreg $0x60  }
0xae: {  	[dreg:$0x2] =	wrdreg s2  }
0xaf: {  	[dreg:$0x3] =	wrdreg s24  }
0xb0: {  	[dreg:$0x4] =	wrdreg $0x9  }
0xb1: {  	_ =	task.clear_ibuf [dreg:s7], $0x5FFFF;
	_ =	strace $0x90000046  }
0xb2: {  	s29 =	simm.s32 $0x9;
	_ =	strace $0x80000048  }
0xb3: {  	_ =	swait.ge [sflag:s29], $0x1  }
0xb4: {  	[sflag:s29] =	ssyncadd.s32 $0xFFFFFFFF  }
0xb5: {  	_ =	strace $0x90000048  }
0xb6: {  	_ =	sfence  }
0xb7: {  	s30 =	sld [smem:$0x0];
	_ =	sdelay $0x2  }
0xb8: {  	s31 =	sshll.u32 s1, $0xD;
	s1 =	sshrl.u32 s1, $0x2  }
0xb9: {  	s3 =	sand.u32 $0x4000, s31;
	s1 =	sadd.s32 s1, s30  }
0xba: {  	s0 =	sor.u32 s3, s0;
	s1 =	sshll.u32 s1, $0x11  }
0xbb: {  	s0 =	sor.u32 s1, s0  }
0xbc: {  	s0 =	sadd.s32 $0x8F2B, s0  }
0xbd: {  	[sflag:s0] =	ssyncadd.remote.s32 $0x1  }
0xbe: {  	_ =	sfence.sel $0xFFFF  }
0xbf: {  	[dreg:$0x0] =	wrdreg $0xFFFFFFFF;
	(pc) =	sbr.abs _section_cstart, $3  }
0xc0: {  	[dreg:$0x1] =	wrdreg $0xFFFFFFFF  }
0xc1: {  	_ =	task.clear_ibuf [dreg:s7], $0x2FFFF;
	_ =	strace $0x9FFFFFFF  }
0xc2: {  	(tm) =	ssettm $0x7FFFFFFF  }
0xc3: {  	_ =	shalt  }
tec
execute0_lowered:
.L_overlay_start_1:
0x0: {  	(tag) =	ssettag $0x1  }
0x1: {  	s0 =	srdreg.scid;
	s1 =	rddreg [dreg:$0x0]  }
0x2: {  	s2 =	stileid.u32;
	s5 =	rddreg [dreg:$0x1]  }
0x3: {  	s26 =	simm.s32 $0x80;
	s8 =	simm.s32 $0x1;
	s11 =	simm.s32 $0x2100  }
0x4: {  	s12 =	simm.s32 $0x2900;
	s13 =	simm.s32 $0x3100;
	s14 =	simm.s32 $0x3900  }
0x5: {  	s15 =	simm.s32 $0x4100;
	s16 =	simm.s32 $0x4900;
	s17 =	simm.s32 $0x5100  }
0x6: {  	s18 =	simm.s32 $0x5900;
	s19 =	simm.s32 $0x6100;
	s20 =	simm.s32 $0x6900  }
0x7: {  	s21 =	simm.s32 $0x7100;
	s22 =	simm.s32 $0x7900;
	s23 =	simm.s32 $0x8100  }
0x8: {  	s24 =	simm.s32 $0x8900;
	s28 =	simm.s32 $0xA100;
	s29 =	simm.s32 $0xA900  }
0x9: {  	s30 =	simm.s32 $0xB100;
	s31 =	simm.s32 $0xB900;
	s0 =	sand.u32 $0x1, s0  }
0xa: {  	s3 =	sshll.u32 s2, $0x5;
	s2 =	simm.s32 $0x0;
	s4 =	sshll.u32 s0, $0x4  }
0xb: {  	[smem:$0x7FF] =	sst s2;
	s0 =	ssub.s32 $0x2, s0;
	s3 =	sor.u32 s4, s3  }
0xc: {  	_ =	strace $0x80000047;
	s25 =	sshrl.u32 s0, $0x1;
	s4 =	sadd.s32 s3, s5  }
0xd: {  	[dreg:$0x6] =	wrdreg s26;
	s26 =	simm.s32 $0x9900;
	s6 =	sadd.s32 $0x10200, s4  }
0xe: {  	s3 =	smul.u32 $0x300, s3;
	s4 =	sadd.s32 $0x10400, s4;
	[dreg:$0x3] =	wrdreg s6  }
0xf: {  	v2 =	vlaneseq.u32;
	s0 =	ssub.s32 s0, s25;
	s25 =	simm.s32 $0x9100;
	[dreg:$0x4] =	wrdreg s4  }
0x10: {  	vm0 =	vmmov $0xffff;
	v1 =	vshrl.u32 v2, $0x3;
	s1 =	sadd.s32 s1, s3;
	s3 =	sadd.s32 $0x10600, s5;
	s4 =	sadd.s32 $0x10700, s5  }
0x11: {  	v0 =	vand.u32 $0x7, v2;
	v2 =	vor.u32 $0x8, v2;
	v1 =	vmul.u32 $0x8, v1;
	s5 =	sadd.s32 $0x10800, s5;
	s6 =	smax.u32 s0, $0x1;
	[dreg:$0x5] =	wrdreg s1  }
.LBB2_1:
0x12: {  	s0 =	rddreg [dreg:$0x3]  }
0x13: {  	s9 =	rddreg [dreg:$0x4]  }
0x14: {  	[tilespmem:s2], [sflag:$0x1] =	stream.linear.gather [hbm4b:s0+s2], $0x80, $0x38;
	[tilespmem:$0x18100] =	vst v63  }
0x15: {  	s10 =	rddreg [dreg:$0x6]  }
0x16: {  	[tilespmem:s10], [sflag:$0x1] =	stream.linear.gather [hbm4b:s9+s2], $0x80, $0x38;
	[tilespmem:$0x18100] =	vst v63  }
0x17: {  	s7 =	rddreg [dreg:$0x5];
	s1 =	simm.s32 $0x100  }
0x18: {  	[tilespmem:s1], [sflag:$0x1] =	stream.linear.gather [hbm4b:s7+s2], $0x18000, $0x38;
	[tilespmem:$0x18100] =	vst v63  }
0x19: {  	_ =	swait.ge [sflag:s8], $0x80  }
0x1a: {  	[sflag:s8] =	ssyncset.done $0x0  }
0x1b: {  	[sflag:s8] =	ssyncadd.s32 $0xFFFFFF80  }
0x1c: {  	_ =	swait.ge [sflag:s8], $0x80  }
0x1d: {  	[sflag:s8] =	ssyncset.done $0x0  }
0x1e: {  	[sflag:s8] =	ssyncadd.s32 $0xFFFFFF80  }
0x1f: {  	_ =	swait.ge [sflag:s8], $0x18000  }
0x20: {  	[sflag:s8] =	ssyncset.done $0x0  }
0x21: {  	[sflag:s8] =	ssyncadd.s32 $0xFFFE8000  }
0x22: {  	v3 =	vld [tilespmem:$0x0];
	_ =	sdelay $0x4  }
0x23: {  	v4 =	vshrl.u32 v3, $0x3  }
0x24: {  	v4 =	vmul.u32 $0x30, v4  }
0x25: {  	v3 =	vand.u32 $0x7, v3  }
0x26: {  	v3 =	vor.u32 v3, v4  }
0x27: {  	v4 =	vperm.xlane v3, v0;
	_ =	sdelay $0x1  }
0x28: {  	v4 =	vadd.s32 v1, v4;
	_ =	sdelay $0x3  }
0x29: {  	v3 =	vperm.xlane v3, v2  }
0x2a: {  	[hbm4b:s3+s2] =	stream.indirect_vreg.scatter [tilespmem:s1], [sflag:$0x1], $0x80, v4, vm0, $0xb8;
	[tilespmem:$0x18100] =	vst v63  }
0x2b: {  	s9 =	simm.s32 $0x900;
	v3 =	vadd.s32 v1, v3  }
0x2c: {  	[hbm4b:s4+s2] =	stream.indirect_vreg.scatter [tilespmem:s9], [sflag:$0x1], $0x80, v4, vm0, $0xb8;
	[tilespmem:$0x18100] =	vst v63  }
0x2d: {  	s9 =	simm.s32 $0x1100  }
0x2e: {  	[hbm4b:s5+s2] =	stream.indirect_vreg.scatter [tilespmem:s9], [sflag:$0x1], $0x80, v4, vm0, $0xb8;
	[tilespmem:$0x18100] =	vst v63  }
0x2f: {  	s10 =	simm.s32 $0x1900  }
0x30: {  	[hbm4b:s3+s2] =	stream.indirect_vreg.scatter [tilespmem:s10], [sflag:$0x1], $0x80, v3, vm0, $0xb8;
	[tilespmem:$0x18100] =	vst v63  }
0x31: {  	_ = 	snop  }
0x32: {  	[hbm4b:s4+s2] =	stream.indirect_vreg.scatter [tilespmem:s11], [sflag:$0x1], $0x80, v3, vm0, $0xb8;
	[tilespmem:$0x18100] =	vst v63  }
0x33: {  	_ = 	snop  }
0x34: {  	[hbm4b:s5+s2] =	stream.indirect_vreg.scatter [tilespmem:s12], [sflag:$0x1], $0x80, v3, vm0, $0xb8;
	[tilespmem:$0x18100] =	vst v63  }
0x35: {  	v3 =	vld [tilespmem:$0x10];
	_ =	sdelay $0x4  }
0x36: {  	v49 =	vshrl.u32 v3, $0x3  }
0x37: {  	v4 =	vmul.u32 $0x30, v49  }
0x38: {  	v3 =	vand.u32 $0x7, v3  }
0x39: {  	v3 =	vor.u32 v3, v4  }
0x3a: {  	v4 =	vperm.xlane v3, v0;
	_ =	sdelay $0x1  }
0x3b: {  	v4 =	vadd.s32 v1, v4;
	_ =	sdelay $0x3  }
0x3c: {  	v3 =	vperm.xlane v3, v2  }
0x3d: {  	[hbm4b:s3+s2] =	stream.indirect_vreg.scatter [tilespmem:s13], [sflag:$0x1], $0x80, v4, vm0, $0xb8;
	[tilespmem:$0x18100] =	vst v63  }
0x3e: {  	v3 =	vadd.s32 v1, v3  }
0x3f: {  	[hbm4b:s4+s2] =	stream.indirect_vreg.scatter [tilespmem:s14], [sflag:$0x1], $0x80, v4, vm0, $0xb8;
	[tilespmem:$0x18100] =	vst v63  }
0x40: {  	_ = 	snop  }
0x41: {  	[hbm4b:s5+s2] =	stream.indirect_vreg.scatter [tilespmem:s15], [sflag:$0x1], $0x80, v4, vm0, $0xb8;
	[tilespmem:$0x18100] =	vst v63  }
0x42: {  	_ = 	snop  }
0x43: {  	[hbm4b:s3+s2] =	stream.indirect_vreg.scatter [tilespmem:s16], [sflag:$0x1], $0x80, v3, vm0, $0xb8;
	[tilespmem:$0x18100] =	vst v63  }
0x44: {  	_ = 	snop  }
0x45: {  	[hbm4b:s4+s2] =	stream.indirect_vreg.scatter [tilespmem:s17], [sflag:$0x1], $0x80, v3, vm0, $0xb8;
	[tilespmem:$0x18100] =	vst v63  }
0x46: {  	_ = 	snop  }
0x47: {  	[hbm4b:s5+s2] =	stream.indirect_vreg.scatter [tilespmem:s18], [sflag:$0x1], $0x80, v3, vm0, $0xb8;
	[tilespmem:$0x18100] =	vst v63  }
0x48: {  	v3 =	vld [tilespmem:$0x20];
	_ =	sdelay $0x4  }
0x49: {  	v50 =	vshrl.u32 v3, $0x3  }
0x4a: {  	v4 =	vmul.u32 $0x30, v50  }
0x4b: {  	v3 =	vand.u32 $0x7, v3  }
0x4c: {  	v3 =	vor.u32 v3, v4  }
0x4d: {  	v4 =	vperm.xlane v3, v0;
	_ =	sdelay $0x1  }
0x4e: {  	v4 =	vadd.s32 v1, v4;
	_ =	sdelay $0x3  }
0x4f: {  	v3 =	vperm.xlane v3, v2  }
0x50: {  	[hbm4b:s3+s2] =	stream.indirect_vreg.scatter [tilespmem:s19], [sflag:$0x1], $0x80, v4, vm0, $0xb8;
	[tilespmem:$0x18100] =	vst v63  }
0x51: {  	v3 =	vadd.s32 v1, v3  }
0x52: {  	[hbm4b:s4+s2] =	stream.indirect_vreg.scatter [tilespmem:s20], [sflag:$0x1], $0x80, v4, vm0, $0xb8;
	[tilespmem:$0x18100] =	vst v63  }
0x53: {  	_ = 	snop  }
0x54: {  	[hbm4b:s5+s2] =	stream.indirect_vreg.scatter [tilespmem:s21], [sflag:$0x1], $0x80, v4, vm0, $0xb8;
	[tilespmem:$0x18100] =	vst v63  }
0x55: {  	_ = 	snop  }
0x56: {  	[hbm4b:s3+s2] =	stream.indirect_vreg.scatter [tilespmem:s22], [sflag:$0x1], $0x80, v3, vm0, $0xb8;
	[tilespmem:$0x18100] =	vst v63  }
0x57: {  	_ = 	snop  }
0x58: {  	[hbm4b:s4+s2] =	stream.indirect_vreg.scatter [tilespmem:s23], [sflag:$0x1], $0x80, v3, vm0, $0xb8;
	[tilespmem:$0x18100] =	vst v63  }
0x59: {  	_ = 	snop  }
0x5a: {  	[hbm4b:s5+s2] =	stream.indirect_vreg.scatter [tilespmem:s24], [sflag:$0x1], $0x80, v3, vm0, $0xb8;
	[tilespmem:$0x18100] =	vst v63  }
0x5b: {  	v3 =	vld [tilespmem:$0x30];
	_ =	sdelay $0x4  }
0x5c: {  	v51 =	vshrl.u32 v3, $0x3  }
0x5d: {  	v4 =	vmul.u32 $0x30, v51  }
0x5e: {  	v3 =	vand.u32 $0x7, v3  }
0x5f: {  	v3 =	vor.u32 v3, v4  }
0x60: {  	v4 =	vperm.xlane v3, v0;
	_ =	sdelay $0x1  }
0x61: {  	v4 =	vadd.s32 v1, v4;
	_ =	sdelay $0x3  }
0x62: {  	v3 =	vperm.xlane v3, v2  }
0x63: {  	[hbm4b:s3+s2] =	stream.indirect_vreg.scatter [tilespmem:s25], [sflag:$0x1], $0x80, v4, vm0, $0xb8;
	[tilespmem:$0x18100] =	vst v63  }
0x64: {  	v3 =	vadd.s32 v1, v3  }
0x65: {  	[hbm4b:s4+s2] =	stream.indirect_vreg.scatter [tilespmem:s26], [sflag:$0x1], $0x80, v4, vm0, $0xb8;
	[tilespmem:$0x18100] =	vst v63  }
0x66: {  	_ = 	snop  }
0x67: {  	[hbm4b:s5+s2] =	stream.indirect_vreg.scatter [tilespmem:s28], [sflag:$0x1], $0x80, v4, vm0, $0xb8;
	[tilespmem:$0x18100] =	vst v63  }
0x68: {  	_ = 	snop  }
0x69: {  	[hbm4b:s3+s2] =	stream.indirect_vreg.scatter [tilespmem:s29], [sflag:$0x1], $0x80, v3, vm0, $0xb8;
	[tilespmem:$0x18100] =	vst v63  }
0x6a: {  	_ = 	snop  }
0x6b: {  	[hbm4b:s4+s2] =	stream.indirect_vreg.scatter [tilespmem:s30], [sflag:$0x1], $0x80, v3, vm0, $0xb8;
	[tilespmem:$0x18100] =	vst v63  }
0x6c: {  	_ = 	snop  }
0x6d: {  	[hbm4b:s5+s2] =	stream.indirect_vreg.scatter [tilespmem:s31], [sflag:$0x1], $0x80, v3, vm0, $0xb8;
	[tilespmem:$0x18100] =	vst v63  }
0x6e: {  	v3 =	vld [tilespmem:$0x40];
	_ =	sdelay $0x4  }
0x6f: {  	v52 =	vshrl.u32 v3, $0x3  }
0x70: {  	v4 =	vmul.u32 $0x30, v52  }
0x71: {  	v3 =	vand.u32 $0x7, v3  }
0x72: {  	v3 =	vor.u32 v3, v4  }
0x73: {  	v4 =	vperm.xlane v3, v0;
	_ =	sdelay $0x1  }
0x74: {  	v4 =	vadd.s32 v1, v4;
	_ =	sdelay $0x3  }
0x75: {  	s7 =	simm.s32 $0xC100;
	v3 =	vperm.xlane v3, v2  }
0x76: {  	[hbm4b:s3+s2] =	stream.indirect_vreg.scatter [tilespmem:s7], [sflag:$0x1], $0x80, v4, vm0, $0xb8;
	[tilespmem:$0x18100] =	vst v63  }
0x77: {  	v3 =	vadd.s32 v1, v3;
	s7 =	simm.s32 $0xC900  }
0x78: {  	[hbm4b:s4+s2] =	stream.indirect_vreg.scatter [tilespmem:s7], [sflag:$0x1], $0x80, v4, vm0, $0xb8;
	[tilespmem:$0x18100] =	vst v63  }
0x79: {  	s0 =	simm.s32 $0xD100  }
0x7a: {  	[hbm4b:s5+s2] =	stream.indirect_vreg.scatter [tilespmem:s0], [sflag:$0x1], $0x80, v4, vm0, $0xb8;
	[tilespmem:$0x18100] =	vst v63  }
0x7b: {  	s0 =	simm.s32 $0xD900  }
0x7c: {  	[hbm4b:s3+s2] =	stream.indirect_vreg.scatter [tilespmem:s0], [sflag:$0x1], $0x80, v3, vm0, $0xb8;
	[tilespmem:$0x18100] =	vst v63  }
0x7d: {  	s0 =	simm.s32 $0xE100  }
0x7e: {  	[hbm4b:s4+s2] =	stream.indirect_vreg.scatter [tilespmem:s0], [sflag:$0x1], $0x80, v3, vm0, $0xb8;
	[tilespmem:$0x18100] =	vst v63  }
0x7f: {  	s0 =	simm.s32 $0xE900  }
0x80: {  	[hbm4b:s5+s2] =	stream.indirect_vreg.scatter [tilespmem:s0], [sflag:$0x1], $0x80, v3, vm0, $0xb8;
	[tilespmem:$0x18100] =	vst v63  }
0x81: {  	v3 =	vld [tilespmem:$0x50];
	_ =	sdelay $0x4  }
0x82: {  	v53 =	vshrl.u32 v3, $0x3  }
0x83: {  	v4 =	vmul.u32 $0x30, v53  }
0x84: {  	v3 =	vand.u32 $0x7, v3  }
0x85: {  	v3 =	vor.u32 v3, v4  }
0x86: {  	v4 =	vperm.xlane v3, v0;
	_ =	sdelay $0x1  }
0x87: {  	v4 =	vadd.s32 v1, v4;
	_ =	sdelay $0x3  }
0x88: {  	s0 =	simm.s32 $0xF100;
	v3 =	vperm.xlane v3, v2  }
0x89: {  	[hbm4b:s3+s2] =	stream.indirect_vreg.scatter [tilespmem:s0], [sflag:$0x1], $0x80, v4, vm0, $0xb8;
	[tilespmem:$0x18100] =	vst v63  }
0x8a: {  	v3 =	vadd.s32 v1, v3;
	s0 =	simm.s32 $0xF900  }
0x8b: {  	[hbm4b:s4+s2] =	stream.indirect_vreg.scatter [tilespmem:s0], [sflag:$0x1], $0x80, v4, vm0, $0xb8;
	[tilespmem:$0x18100] =	vst v63  }
0x8c: {  	s0 =	simm.s32 $0x10100  }
0x8d: {  	[hbm4b:s5+s2] =	stream.indirect_vreg.scatter [tilespmem:s0], [sflag:$0x1], $0x80, v4, vm0, $0xb8;
	[tilespmem:$0x18100] =	vst v63  }
0x8e: {  	s0 =	simm.s32 $0x10900  }
0x8f: {  	[hbm4b:s3+s2] =	stream.indirect_vreg.scatter [tilespmem:s0], [sflag:$0x1], $0x80, v3, vm0, $0xb8;
	[tilespmem:$0x18100] =	vst v63  }
0x90: {  	s0 =	simm.s32 $0x11100  }
0x91: {  	[hbm4b:s4+s2] =	stream.indirect_vreg.scatter [tilespmem:s0], [sflag:$0x1], $0x80, v3, vm0, $0xb8;
	[tilespmem:$0x18100] =	vst v63  }
0x92: {  	s0 =	simm.s32 $0x11900  }
0x93: {  	[hbm4b:s5+s2] =	stream.indirect_vreg.scatter [tilespmem:s0], [sflag:$0x1], $0x80, v3, vm0, $0xb8;
	[tilespmem:$0x18100] =	vst v63  }
0x94: {  	v3 =	vld [tilespmem:$0x60];
	_ =	sdelay $0x4  }
0x95: {  	v54 =	vshrl.u32 v3, $0x3  }
0x96: {  	v4 =	vmul.u32 $0x30, v54  }
0x97: {  	v3 =	vand.u32 $0x7, v3  }
0x98: {  	v3 =	vor.u32 v3, v4  }
0x99: {  	v4 =	vperm.xlane v3, v0;
	_ =	sdelay $0x1  }
0x9a: {  	v4 =	vadd.s32 v1, v4;
	_ =	sdelay $0x3  }
0x9b: {  	s0 =	simm.s32 $0x12100;
	v3 =	vperm.xlane v3, v2  }
0x9c: {  	[hbm4b:s3+s2] =	stream.indirect_vreg.scatter [tilespmem:s0], [sflag:$0x1], $0x80, v4, vm0, $0xb8;
	[tilespmem:$0x18100] =	vst v63  }
0x9d: {  	v3 =	vadd.s32 v1, v3;
	s0 =	simm.s32 $0x12900  }
0x9e: {  	[hbm4b:s4+s2] =	stream.indirect_vreg.scatter [tilespmem:s0], [sflag:$0x1], $0x80, v4, vm0, $0xb8;
	[tilespmem:$0x18100] =	vst v63  }
0x9f: {  	s0 =	simm.s32 $0x13100  }
0xa0: {  	[hbm4b:s5+s2] =	stream.indirect_vreg.scatter [tilespmem:s0], [sflag:$0x1], $0x80, v4, vm0, $0xb8;
	[tilespmem:$0x18100] =	vst v63  }
0xa1: {  	s0 =	simm.s32 $0x13900  }
0xa2: {  	[hbm4b:s3+s2] =	stream.indirect_vreg.scatter [tilespmem:s0], [sflag:$0x1], $0x80, v3, vm0, $0xb8;
	[tilespmem:$0x18100] =	vst v63  }
0xa3: {  	s0 =	simm.s32 $0x14100  }
0xa4: {  	[hbm4b:s4+s2] =	stream.indirect_vreg.scatter [tilespmem:s0], [sflag:$0x1], $0x80, v3, vm0, $0xb8;
	[tilespmem:$0x18100] =	vst v63  }
0xa5: {  	s0 =	simm.s32 $0x14900  }
0xa6: {  	[hbm4b:s5+s2] =	stream.indirect_vreg.scatter [tilespmem:s0], [sflag:$0x1], $0x80, v3, vm0, $0xb8;
	[tilespmem:$0x18100] =	vst v63  }
0xa7: {  	v3 =	vld [tilespmem:$0x70];
	_ =	sdelay $0x4  }
0xa8: {  	v55 =	vshrl.u32 v3, $0x3  }
0xa9: {  	v4 =	vmul.u32 $0x30, v55  }
0xaa: {  	v3 =	vand.u32 $0x7, v3  }
0xab: {  	v3 =	vor.u32 v3, v4  }
0xac: {  	v4 =	vperm.xlane v3, v0;
	_ =	sdelay $0x1  }
0xad: {  	v4 =	vadd.s32 v1, v4;
	_ =	sdelay $0x3  }
0xae: {  	s0 =	simm.s32 $0x15100;
	v3 =	vperm.xlane v3, v2  }
0xaf: {  	[hbm4b:s3+s2] =	stream.indirect_vreg.scatter [tilespmem:s0], [sflag:$0x1], $0x80, v4, vm0, $0xb8;
	[tilespmem:$0x18100] =	vst v63  }
0xb0: {  	v3 =	vadd.s32 v1, v3;
	s0 =	simm.s32 $0x15900  }
0xb1: {  	[hbm4b:s4+s2] =	stream.indirect_vreg.scatter [tilespmem:s0], [sflag:$0x1], $0x80, v4, vm0, $0xb8;
	[tilespmem:$0x18100] =	vst v63  }
0xb2: {  	s0 =	simm.s32 $0x16100  }
0xb3: {  	[hbm4b:s5+s2] =	stream.indirect_vreg.scatter [tilespmem:s0], [sflag:$0x1], $0x80, v4, vm0, $0xb8;
	[tilespmem:$0x18100] =	vst v63  }
0xb4: {  	s0 =	simm.s32 $0x16900  }
0xb5: {  	[hbm4b:s3+s2] =	stream.indirect_vreg.scatter [tilespmem:s0], [sflag:$0x1], $0x80, v3, vm0, $0xb8;
	[tilespmem:$0x18100] =	vst v63  }
0xb6: {  	s0 =	simm.s32 $0x17100  }
0xb7: {  	[hbm4b:s4+s2] =	stream.indirect_vreg.scatter [tilespmem:s0], [sflag:$0x1], $0x80, v3, vm0, $0xb8;
	[tilespmem:$0x18100] =	vst v63  }
0xb8: {  	s0 =	simm.s32 $0x17900  }
0xb9: {  	[hbm4b:s5+s2] =	stream.indirect_vreg.scatter [tilespmem:s0], [sflag:$0x1], $0x80, v3, vm0, $0xb8;
	[tilespmem:$0x18100] =	vst v63  }
0xba: {  	v3 =	vld [tilespmem:$0x80];
	_ =	sdelay $0x4  }
0xbb: {  	v56 =	vshrl.u32 v3, $0x3  }
0xbc: {  	v4 =	vmul.u32 $0x30, v56  }
0xbd: {  	v3 =	vand.u32 $0x7, v3  }
0xbe: {  	v3 =	vor.u32 v3, v4  }
0xbf: {  	v4 =	vperm.xlane v3, v0;
	_ =	sdelay $0x1  }
0xc0: {  	v4 =	vadd.s32 v1, v4;
	_ =	sdelay $0x3  }
0xc1: {  	v3 =	vperm.xlane v3, v2  }
0xc2: {  	[hbm4b:s3+s2] =	stream.indirect_vreg.scatter [tilespmem:s1], [sflag:$0x1], $0x80, v4, vm0, $0xb8;
	[tilespmem:$0x18100] =	vst v63  }
0xc3: {  	v3 =	vadd.s32 v1, v3;
	s1 =	simm.s32 $0x900  }
0xc4: {  	[hbm4b:s4+s2] =	stream.indirect_vreg.scatter [tilespmem:s1], [sflag:$0x1], $0x80, v4, vm0, $0xb8;
	[tilespmem:$0x18100] =	vst v63  }
0xc5: {  	_ = 	snop  }
0xc6: {  	[hbm4b:s5+s2] =	stream.indirect_vreg.scatter [tilespmem:s9], [sflag:$0x1], $0x80, v4, vm0, $0xb8;
	[tilespmem:$0x18100] =	vst v63  }
0xc7: {  	_ = 	snop  }
0xc8: {  	[hbm4b:s3+s2] =	stream.indirect_vreg.scatter [tilespmem:s10], [sflag:$0x1], $0x80, v3, vm0, $0xb8;
	[tilespmem:$0x18100] =	vst v63  }
0xc9: {  	_ = 	snop  }
0xca: {  	[hbm4b:s4+s2] =	stream.indirect_vreg.scatter [tilespmem:s11], [sflag:$0x1], $0x80, v3, vm0, $0xb8;
	[tilespmem:$0x18100] =	vst v63  }
0xcb: {  	_ = 	snop  }
0xcc: {  	[hbm4b:s5+s2] =	stream.indirect_vreg.scatter [tilespmem:s12], [sflag:$0x1], $0x80, v3, vm0, $0xb8;
	[tilespmem:$0x18100] =	vst v63  }
0xcd: {  	v3 =	vld [tilespmem:$0x90];
	_ =	sdelay $0x4  }
0xce: {  	v57 =	vshrl.u32 v3, $0x3  }
0xcf: {  	v4 =	vmul.u32 $0x30, v57  }
0xd0: {  	v3 =	vand.u32 $0x7, v3  }
0xd1: {  	v3 =	vor.u32 v3, v4  }
0xd2: {  	v4 =	vperm.xlane v3, v0;
	_ =	sdelay $0x1  }
0xd3: {  	v4 =	vadd.s32 v1, v4;
	_ =	sdelay $0x3  }
0xd4: {  	v3 =	vperm.xlane v3, v2  }
0xd5: {  	[hbm4b:s3+s2] =	stream.indirect_vreg.scatter [tilespmem:s13], [sflag:$0x1], $0x80, v4, vm0, $0xb8;
	[tilespmem:$0x18100] =	vst v63  }
0xd6: {  	v3 =	vadd.s32 v1, v3  }
0xd7: {  	[hbm4b:s4+s2] =	stream.indirect_vreg.scatter [tilespmem:s14], [sflag:$0x1], $0x80, v4, vm0, $0xb8;
	[tilespmem:$0x18100] =	vst v63  }
0xd8: {  	_ = 	snop  }
0xd9: {  	[hbm4b:s5+s2] =	stream.indirect_vreg.scatter [tilespmem:s15], [sflag:$0x1], $0x80, v4, vm0, $0xb8;
	[tilespmem:$0x18100] =	vst v63  }
0xda: {  	_ = 	snop  }
0xdb: {  	[hbm4b:s3+s2] =	stream.indirect_vreg.scatter [tilespmem:s16], [sflag:$0x1], $0x80, v3, vm0, $0xb8;
	[tilespmem:$0x18100] =	vst v63  }
0xdc: {  	_ = 	snop  }
0xdd: {  	[hbm4b:s4+s2] =	stream.indirect_vreg.scatter [tilespmem:s17], [sflag:$0x1], $0x80, v3, vm0, $0xb8;
	[tilespmem:$0x18100] =	vst v63  }
0xde: {  	_ = 	snop  }
0xdf: {  	[hbm4b:s5+s2] =	stream.indirect_vreg.scatter [tilespmem:s18], [sflag:$0x1], $0x80, v3, vm0, $0xb8;
	[tilespmem:$0x18100] =	vst v63  }
0xe0: {  	v3 =	vld [tilespmem:$0xA0];
	_ =	sdelay $0x4  }
0xe1: {  	v58 =	vshrl.u32 v3, $0x3  }
0xe2: {  	v4 =	vmul.u32 $0x30, v58  }
0xe3: {  	v3 =	vand.u32 $0x7, v3  }
0xe4: {  	v3 =	vor.u32 v3, v4  }
0xe5: {  	v4 =	vperm.xlane v3, v0;
	_ =	sdelay $0x1  }
0xe6: {  	v4 =	vadd.s32 v1, v4;
	_ =	sdelay $0x3  }
0xe7: {  	v3 =	vperm.xlane v3, v2  }
0xe8: {  	[hbm4b:s3+s2] =	stream.indirect_vreg.scatter [tilespmem:s19], [sflag:$0x1], $0x80, v4, vm0, $0xb8;
	[tilespmem:$0x18100] =	vst v63  }
0xe9: {  	v3 =	vadd.s32 v1, v3  }
0xea: {  	[hbm4b:s4+s2] =	stream.indirect_vreg.scatter [tilespmem:s20], [sflag:$0x1], $0x80, v4, vm0, $0xb8;
	[tilespmem:$0x18100] =	vst v63  }
0xeb: {  	_ = 	snop  }
0xec: {  	[hbm4b:s5+s2] =	stream.indirect_vreg.scatter [tilespmem:s21], [sflag:$0x1], $0x80, v4, vm0, $0xb8;
	[tilespmem:$0x18100] =	vst v63  }
0xed: {  	_ = 	snop  }
0xee: {  	[hbm4b:s3+s2] =	stream.indirect_vreg.scatter [tilespmem:s22], [sflag:$0x1], $0x80, v3, vm0, $0xb8;
	[tilespmem:$0x18100] =	vst v63  }
0xef: {  	_ = 	snop  }
0xf0: {  	[hbm4b:s4+s2] =	stream.indirect_vreg.scatter [tilespmem:s23], [sflag:$0x1], $0x80, v3, vm0, $0xb8;
	[tilespmem:$0x18100] =	vst v63  }
0xf1: {  	_ = 	snop  }
0xf2: {  	[hbm4b:s5+s2] =	stream.indirect_vreg.scatter [tilespmem:s24], [sflag:$0x1], $0x80, v3, vm0, $0xb8;
	[tilespmem:$0x18100] =	vst v63  }
0xf3: {  	v3 =	vld [tilespmem:$0xB0];
	_ =	sdelay $0x4  }
0xf4: {  	v59 =	vshrl.u32 v3, $0x3  }
0xf5: {  	v4 =	vmul.u32 $0x30, v59  }
0xf6: {  	v3 =	vand.u32 $0x7, v3  }
0xf7: {  	v3 =	vor.u32 v3, v4  }
0xf8: {  	v4 =	vperm.xlane v3, v0;
	_ =	sdelay $0x1  }
0xf9: {  	v4 =	vadd.s32 v1, v4;
	_ =	sdelay $0x3  }
0xfa: {  	v3 =	vperm.xlane v3, v2  }
0xfb: {  	[hbm4b:s3+s2] =	stream.indirect_vreg.scatter [tilespmem:s25], [sflag:$0x1], $0x80, v4, vm0, $0xb8;
	[tilespmem:$0x18100] =	vst v63  }
0xfc: {  	v3 =	vadd.s32 v1, v3  }
0xfd: {  	[hbm4b:s4+s2] =	stream.indirect_vreg.scatter [tilespmem:s26], [sflag:$0x1], $0x80, v4, vm0, $0xb8;
	[tilespmem:$0x18100] =	vst v63  }
0xfe: {  	_ = 	snop  }
0xff: {  	[hbm4b:s5+s2] =	stream.indirect_vreg.scatter [tilespmem:s28], [sflag:$0x1], $0x80, v4, vm0, $0xb8;
	[tilespmem:$0x18100] =	vst v63  }
0x100: {  	_ = 	snop  }
0x101: {  	[hbm4b:s3+s2] =	stream.indirect_vreg.scatter [tilespmem:s29], [sflag:$0x1], $0x80, v3, vm0, $0xb8;
	[tilespmem:$0x18100] =	vst v63  }
0x102: {  	_ = 	snop  }
0x103: {  	[hbm4b:s4+s2] =	stream.indirect_vreg.scatter [tilespmem:s30], [sflag:$0x1], $0x80, v3, vm0, $0xb8;
	[tilespmem:$0x18100] =	vst v63  }
0x104: {  	_ = 	snop  }
0x105: {  	[hbm4b:s5+s2] =	stream.indirect_vreg.scatter [tilespmem:s31], [sflag:$0x1], $0x80, v3, vm0, $0xb8;
	[tilespmem:$0x18100] =	vst v63  }
0x106: {  	v3 =	vld [tilespmem:$0xC0];
	_ =	sdelay $0x4  }
0x107: {  	v60 =	vshrl.u32 v3, $0x3  }
0x108: {  	v4 =	vmul.u32 $0x30, v60  }
0x109: {  	v3 =	vand.u32 $0x7, v3  }
0x10a: {  	v3 =	vor.u32 v3, v4  }
0x10b: {  	v4 =	vperm.xlane v3, v0;
	_ =	sdelay $0x1  }
0x10c: {  	v4 =	vadd.s32 v1, v4;
	_ =	sdelay $0x3  }
0x10d: {  	s10 =	simm.s32 $0xC100;
	v3 =	vperm.xlane v3, v2  }
0x10e: {  	[hbm4b:s3+s2] =	stream.indirect_vreg.scatter [tilespmem:s10], [sflag:$0x1], $0x80, v4, vm0, $0xb8;
	[tilespmem:$0x18100] =	vst v63  }
0x10f: {  	v3 =	vadd.s32 v1, v3  }
0x110: {  	[hbm4b:s4+s2] =	stream.indirect_vreg.scatter [tilespmem:s7], [sflag:$0x1], $0x80, v4, vm0, $0xb8;
	[tilespmem:$0x18100] =	vst v63  }
0x111: {  	s7 =	simm.s32 $0xD100  }
0x112: {  	[hbm4b:s5+s2] =	stream.indirect_vreg.scatter [tilespmem:s7], [sflag:$0x1], $0x80, v4, vm0, $0xb8;
	[tilespmem:$0x18100] =	vst v63  }
0x113: {  	s9 =	simm.s32 $0xD900  }
0x114: {  	[hbm4b:s3+s2] =	stream.indirect_vreg.scatter [tilespmem:s9], [sflag:$0x1], $0x80, v3, vm0, $0xb8;
	[tilespmem:$0x18100] =	vst v63  }
0x115: {  	s10 =	simm.s32 $0xE100  }
0x116: {  	[hbm4b:s4+s2] =	stream.indirect_vreg.scatter [tilespmem:s10], [sflag:$0x1], $0x80, v3, vm0, $0xb8;
	[tilespmem:$0x18100] =	vst v63  }
0x117: {  	s7 =	simm.s32 $0xE900  }
0x118: {  	[hbm4b:s5+s2] =	stream.indirect_vreg.scatter [tilespmem:s7], [sflag:$0x1], $0x80, v3, vm0, $0xb8;
	[tilespmem:$0x18100] =	vst v63  }
0x119: {  	v3 =	vld [tilespmem:$0xD0];
	_ =	sdelay $0x4  }
0x11a: {  	v61 =	vshrl.u32 v3, $0x3  }
0x11b: {  	v4 =	vmul.u32 $0x30, v61  }
0x11c: {  	v3 =	vand.u32 $0x7, v3  }
0x11d: {  	v3 =	vor.u32 v3, v4  }
0x11e: {  	v4 =	vperm.xlane v3, v0;
	_ =	sdelay $0x1  }
0x11f: {  	v4 =	vadd.s32 v1, v4;
	_ =	sdelay $0x3  }
0x120: {  	s9 =	simm.s32 $0xF100;
	v3 =	vperm.xlane v3, v2  }
0x121: {  	[hbm4b:s3+s2] =	stream.indirect_vreg.scatter [tilespmem:s9], [sflag:$0x1], $0x80, v4, vm0, $0xb8;
	[tilespmem:$0x18100] =	vst v63  }
0x122: {  	s10 =	simm.s32 $0xF900;
	v3 =	vadd.s32 v1, v3  }
0x123: {  	[hbm4b:s4+s2] =	stream.indirect_vreg.scatter [tilespmem:s10], [sflag:$0x1], $0x80, v4, vm0, $0xb8;
	[tilespmem:$0x18100] =	vst v63  }
0x124: {  	s7 =	simm.s32 $0x10100  }
0x125: {  	[hbm4b:s5+s2] =	stream.indirect_vreg.scatter [tilespmem:s7], [sflag:$0x1], $0x80, v4, vm0, $0xb8;
	[tilespmem:$0x18100] =	vst v63  }
0x126: {  	s9 =	simm.s32 $0x10900  }
0x127: {  	[hbm4b:s3+s2] =	stream.indirect_vreg.scatter [tilespmem:s9], [sflag:$0x1], $0x80, v3, vm0, $0xb8;
	[tilespmem:$0x18100] =	vst v63  }
0x128: {  	s10 =	simm.s32 $0x11100  }
0x129: {  	[hbm4b:s4+s2] =	stream.indirect_vreg.scatter [tilespmem:s10], [sflag:$0x1], $0x80, v3, vm0, $0xb8;
	[tilespmem:$0x18100] =	vst v63  }
0x12a: {  	s7 =	simm.s32 $0x11900  }
0x12b: {  	[hbm4b:s5+s2] =	stream.indirect_vreg.scatter [tilespmem:s7], [sflag:$0x1], $0x80, v3, vm0, $0xb8;
	[tilespmem:$0x18100] =	vst v63  }
0x12c: {  	v3 =	vld [tilespmem:$0xE0];
	_ =	sdelay $0x4  }
0x12d: {  	v62 =	vshrl.u32 v3, $0x3  }
0x12e: {  	v4 =	vmul.u32 $0x30, v62  }
0x12f: {  	v3 =	vand.u32 $0x7, v3  }
0x130: {  	v3 =	vor.u32 v3, v4  }
0x131: {  	v4 =	vperm.xlane v3, v0;
	_ =	sdelay $0x1  }
0x132: {  	v4 =	vadd.s32 v1, v4;
	_ =	sdelay $0x3  }
0x133: {  	s9 =	simm.s32 $0x12100;
	v3 =	vperm.xlane v3, v2  }
0x134: {  	[hbm4b:s3+s2] =	stream.indirect_vreg.scatter [tilespmem:s9], [sflag:$0x1], $0x80, v4, vm0, $0xb8;
	[tilespmem:$0x18100] =	vst v63  }
0x135: {  	s10 =	simm.s32 $0x12900;
	v3 =	vadd.s32 v1, v3  }
0x136: {  	[hbm4b:s4+s2] =	stream.indirect_vreg.scatter [tilespmem:s10], [sflag:$0x1], $0x80, v4, vm0, $0xb8;
	[tilespmem:$0x18100] =	vst v63  }
0x137: {  	s7 =	simm.s32 $0x13100  }
0x138: {  	[hbm4b:s5+s2] =	stream.indirect_vreg.scatter [tilespmem:s7], [sflag:$0x1], $0x80, v4, vm0, $0xb8;
	[tilespmem:$0x18100] =	vst v63  }
0x139: {  	s9 =	simm.s32 $0x13900  }
0x13a: {  	[hbm4b:s3+s2] =	stream.indirect_vreg.scatter [tilespmem:s9], [sflag:$0x1], $0x80, v3, vm0, $0xb8;
	[tilespmem:$0x18100] =	vst v63  }
0x13b: {  	s10 =	simm.s32 $0x14100  }
0x13c: {  	[hbm4b:s4+s2] =	stream.indirect_vreg.scatter [tilespmem:s10], [sflag:$0x1], $0x80, v3, vm0, $0xb8;
	[tilespmem:$0x18100] =	vst v63  }
0x13d: {  	s7 =	simm.s32 $0x14900  }
0x13e: {  	[hbm4b:s5+s2] =	stream.indirect_vreg.scatter [tilespmem:s7], [sflag:$0x1], $0x80, v3, vm0, $0xb8;
	[tilespmem:$0x18100] =	vst v63  }
0x13f: {  	v3 =	vld [tilespmem:$0xF0];
	_ =	sdelay $0x4  }
0x140: {  	v63 =	vshrl.u32 v3, $0x3  }
0x141: {  	v4 =	vmul.u32 $0x30, v63  }
0x142: {  	v3 =	vand.u32 $0x7, v3  }
0x143: {  	v3 =	vor.u32 v3, v4  }
0x144: {  	v4 =	vperm.xlane v3, v0;
	_ =	sdelay $0x1  }
0x145: {  	v4 =	vadd.s32 v1, v4;
	_ =	sdelay $0x3  }
0x146: {  	s9 =	simm.s32 $0x15100;
	v3 =	vperm.xlane v3, v2  }
0x147: {  	[hbm4b:s3+s2] =	stream.indirect_vreg.scatter [tilespmem:s9], [sflag:$0x1], $0x80, v4, vm0, $0xb8;
	[tilespmem:$0x18100] =	vst v63  }
0x148: {  	s10 =	simm.s32 $0x15900;
	v3 =	vadd.s32 v1, v3  }
0x149: {  	[hbm4b:s4+s2] =	stream.indirect_vreg.scatter [tilespmem:s10], [sflag:$0x1], $0x80, v4, vm0, $0xb8;
	[tilespmem:$0x18100] =	vst v63  }
0x14a: {  	s7 =	simm.s32 $0x16100  }
0x14b: {  	[hbm4b:s5+s2] =	stream.indirect_vreg.scatter [tilespmem:s7], [sflag:$0x1], $0x80, v4, vm0, $0xb8;
	[tilespmem:$0x18100] =	vst v63  }
0x14c: {  	s9 =	simm.s32 $0x16900  }
0x14d: {  	[hbm4b:s3+s2] =	stream.indirect_vreg.scatter [tilespmem:s9], [sflag:$0x1], $0x80, v3, vm0, $0xb8;
	[tilespmem:$0x18100] =	vst v63  }
0x14e: {  	s10 =	simm.s32 $0x17100  }
0x14f: {  	[hbm4b:s4+s2] =	stream.indirect_vreg.scatter [tilespmem:s10], [sflag:$0x1], $0x80, v3, vm0, $0xb8;
	[tilespmem:$0x18100] =	vst v63  }
0x150: {  	_ = 	snop  }
0x151: {  	[hbm4b:s5+s2] =	stream.indirect_vreg.scatter [tilespmem:s0], [sflag:$0x1], $0x80, v3, vm0, $0xb8;
	[tilespmem:$0x18100] =	vst v63  }
0x152: {  	p0 =	sne.s32 s6, $0x1;
	_ =	swait.ge [sflag:s8], $0x18000  }
.Ltmp0:
0x153: {  	[sflag:s8] =	ssyncset.done $0x0;
	(pc) =	sbr.rel @p0 .LBB2_1-.Ltmp0, $4  }
0x154: {  	[sflag:s8] =	ssyncadd.s32 $0xFFFE8000  }
0x155: {  	_ =	swait.ge [sflag:s8], $0x18000  }
0x156: {  	[sflag:s8] =	ssyncset.done $0x0  }
0x157: {  	s6 =	sadd.s32 $0xFFFFFFFF, s6;
	[sflag:s8] =	ssyncadd.s32 $0xFFFE8000  }
0x158: {  	_ =	sfence.sel $0x180000  }
0x159: {  	[bflag:$0x0] =	sbarrier.arrive $0xFFFF  }
0x15a: {  	_ =	strace $0x90000047  }
0x15b: {  	s0 =	stileid.u32;
	[bflag:$0x2] =	sbarrier.arrive $0xFFFF  }
0x15c: {  	p0 =	sne.s32 s0, $0x0;
	s0 =	rddreg [dreg:$0x2]  }
0x15d: {  	s0 =	sadd.s32 @!p0 $0x100000, s0  }
0x15e: {  	[sflag:s0] =	ssyncadd.tile.s32 @!p0 $0x1;
	_ =	shalt  }
.Lfunc_end2:
_tile_overlayer_lowered:
.L_overlay_start_2:
0x15f: {  	(tag) =	ssettag $0x2  }
0x160: {  	s0 =	rddreg [dreg:$0x0];
	s2 =	stileid.u32  }
0x161: {  	s1 =	rddreg [dreg:$0x1];
	p0 =	sne.s32 s2, $0x0  }
0x162: {  	s3 =	rddreg [dreg:$0x2];
	[bflag:$0x3] =	sbarrier.arrive $0xFFFF;
	s2 =	simm.s32 @!p0 $0x1C02  }
0x163: {  	[timem:s3], [sflag:s2] =	dma.local @!p0 [hbm:s0], s1  }
0x164: {  	s0 =	simm.s32 @!p0 $0x2  }
0x165: {  	_ =	swait.ge @!p0 [sflag:s0], s1  }
0x166: {  	s1 =	ssub.s32 @!p0 $0x0, s1;
	[sflag:s0] =	ssyncset.done @!p0 $0x0  }
0x167: {  	[sflag:s0] =	ssyncadd.s32 @!p0 s1  }
0x168: {  	[bflag:$0x3] =	sbarrier.arrive $0xFFFF  }
0x169: {  	_ =	shalt  }

</sc_bundles>
